<compile_context>
chip_gen: v7x
topology: tpu7x:2x2x1
jax: 0.10.2.dev20260603
libtpu: 0.0.44.dev20260713+nightly
codegen_flags: <defaults>
</compile_context>

<pallas_src>
import functools

import jax
import jax.numpy as jnp
from jax import lax
from jax.experimental import pallas as pl
from jax.experimental.pallas import tpu as pltpu
from jax.experimental.pallas import tpu_sc as plsc

R, T = 4096, 200
D = 32
NC, NS = 2, 16
NW = NC * NS
RPW = R // NW
NBUF = 8
NGROUPS = RPW // NBUF


_mesh = plsc.VectorSubcoreMesh(core_axis_name="c", subcore_axis_name="s")


@functools.partial(
    pl.kernel,
    out_type=jax.ShapeDtypeStruct((R, T, D), jnp.float32),
    mesh=_mesh,
    compiler_params=pltpu.CompilerParams(use_tc_tiling_on_sc=False),
    scratch_types=[
        pltpu.VMEM((RPW, T), jnp.int32),
        pltpu.VMEM((NBUF, T, D), jnp.float32),
        pltpu.SemaphoreType.DMA((NBUF,)),
        pltpu.SemaphoreType.DMA((NBUF,)),
    ],
)
def _embed_sc(idx_hbm, table_hbm, out_hbm, idx_v, rows_v, gsem, ssem):
    wid = lax.axis_index("s") * NC + lax.axis_index("c")
    base = wid * RPW
    pltpu.sync_copy(idx_hbm.at[pl.ds(base, RPW)], idx_v)

    def gather(i, b):
        pltpu.async_copy(table_hbm.at[idx_v.at[i]], rows_v.at[b], gsem.at[b])

    for b in range(NBUF):
        gather(b, b)

    def group(g, carry):
        gbase = g * NBUF
        for b in range(NBUF):
            pltpu.make_async_copy(
                table_hbm.at[idx_v.at[gbase + b]], rows_v.at[b], gsem.at[b]
            ).wait()
            pltpu.async_copy(
                rows_v.at[b], out_hbm.at[base + gbase + b], ssem.at[b]
            )
        for b in range(NBUF):
            pltpu.make_async_copy(
                rows_v.at[b], out_hbm.at[base + gbase + b], ssem.at[b]
            ).wait()

            @pl.when(g + 1 < NGROUPS)
            def _():
                gather(gbase + NBUF + b, b)

        return carry

    lax.fori_loop(0, NGROUPS, group, 0)


def kernel(token_ids, weight):
    return _embed_sc(token_ids, weight)

# --- scband reference (transcript-rebuilt; emitter-appended) ---
"""Pipeline reference for scband-embedding-2954937499865 (READ-ONLY COPY).

The authoritative reference and input builder live on the scoring server;
editing this copy changes nothing except your own understanding.
"""

import jax, jax.numpy as jnp
import numpy as np

NUM_EMBEDDINGS = 1000000
EMBEDDING_DIM = 32

def setup_inputs(seed: int = 0) -> dict:
    key = jax.random.key(seed)
    k_ids, k_w = jax.random.split(key)
    token_ids = jax.random.randint(k_ids, (4096, 200), 0, NUM_EMBEDDINGS, dtype=jnp.int64 if jax.config.read('jax_enable_x64') else jnp.int32)
    # truncated normal init, mean=0, std=1, a=-3, b=3
    weight = jax.random.truncated_normal(k_w, -3.0, 3.0, (NUM_EMBEDDINGS, EMBEDDING_DIM), dtype=jnp.float32)
    return {"token_ids": token_ids, "weight": weight}

def reference(token_ids, weight):
    # Embedding lookup: weight[token_ids] -> gather along axis 0
    return jnp.take(weight, token_ids, axis=0)

if __name__ == "__main__":
    import jax
    _d = setup_inputs()
    print(jax.jit(kernel)(*tuple(_d.values())))

</pallas_src>

<mosaic_0001>
#map = affine_map<(d0, d1) -> (0, 0)>
#map1 = affine_map<(d0, d1) -> (0, 0, 0)>
module attributes {stable_mosaic.version = 14 : i64} {
  func.func @_embed_sc(%arg0: i32, %arg1: i32, %arg2: memref<4096x200xi32, #tpu.memory_space<hbm>>, %arg3: memref<1000000x32xf32, #tpu.memory_space<hbm>>, %arg4: memref<4096x200x32xf32, #tpu.memory_space<hbm>>, %arg5: memref<128x200xi32, #tpu.memory_space<vmem>>, %arg6: memref<8x200x32xf32, #tpu.memory_space<vmem>>, %arg7: memref<8x!tpu.dma_semaphore, #tpu.memory_space<semaphore_mem>>, %arg8: memref<8x!tpu.dma_semaphore, #tpu.memory_space<semaphore_mem>>) attributes {dimension_semantics = [#tpu.dimension_semantics<core_parallel>, #tpu.dimension_semantics<subcore_parallel>], iteration_bounds = array<i64: 2, 16>, scalar_prefetch = 0 : i64, scratch_operands = 4 : i64, tpu.core_type = #tpu.core_type<sc_vector_subcore>, window_params = [{transform_indices = #map}, {transform_indices = #map}, {transform_indices = #map1}]} {
    %mul3A = arith.constant 2 : i32
    %mul3A_0 = arith.muli %arg1, %mul3A : i32
    %add3A = arith.addi %mul3A_0, %arg0 : i32
    %mul3A_1 = arith.constant 128 : i32
    %mul3A_2 = arith.muli %add3A, %mul3A_1 : i32
    "tpu.region"() ({
      %run_scoped3A = tpu.sem_alloc : memref<!tpu.dma_semaphore, #tpu.memory_space<semaphore_mem>>
      %dma_start3A_127 = arith.constant 0 : i32
      %dma_start3A_128 = tpu.memref_slice %arg2[%mul3A_2, %dma_start3A_127] : memref<4096x200xi32, #tpu.memory_space<hbm>> -> memref<128x200xi32, #tpu.memory_space<hbm>>
      %dma_start3A_129 = arith.constant 0 : i32
      %dma_start3A_130 = tpu.memref_slice %arg2[%mul3A_2, %dma_start3A_129] : memref<4096x200xi32, #tpu.memory_space<hbm>> -> memref<128x200xi32, #tpu.memory_space<hbm>>
      tpu.enqueue_dma source(%dma_start3A_130 : memref<128x200xi32, #tpu.memory_space<hbm>>) target(%arg5 : memref<128x200xi32, #tpu.memory_space<vmem>>) target_semaphore(%run_scoped3A : memref<!tpu.dma_semaphore, #tpu.memory_space<semaphore_mem>>)
      %dma_wait3A = arith.constant 0 : i32
      %dma_wait3A_131 = tpu.memref_slice %arg2[%mul3A_2, %dma_wait3A] : memref<4096x200xi32, #tpu.memory_space<hbm>> -> memref<128x200xi32, #tpu.memory_space<hbm>>
      %dma_wait3A_132 = arith.constant 0 : i32
      %dma_wait3A_133 = tpu.memref_slice %arg2[%mul3A_2, %dma_wait3A_132] : memref<4096x200xi32, #tpu.memory_space<hbm>> -> memref<128x200xi32, #tpu.memory_space<hbm>>
      tpu.wait_dma2 semaphore(%run_scoped3A : memref<!tpu.dma_semaphore, #tpu.memory_space<semaphore_mem>>) src(%dma_wait3A_133 : memref<128x200xi32, #tpu.memory_space<hbm>>) dst(%arg5 : memref<128x200xi32, #tpu.memory_space<vmem>>)
      tpu.yield
    }) : () -> ()
    %dma_start3A = arith.constant 0 : i32
    %dma_start3A_3 = arith.constant 0 : i32
    %dma_start3A_4 = arith.constant 0 : i32
    %dma_start3A_5 = arith.constant 0 : i32
    %dma_start3A_6 = arith.constant 0 : i32
    %dma_start3A_7 = tpu.memref_slice %arg6[%dma_start3A_3, %dma_start3A_5, %dma_start3A_6] : memref<8x200x32xf32, #tpu.memory_space<vmem>> -> memref<1x200x32xf32, #tpu.memory_space<vmem>>
    %dma_start3A_8 = tpu.memref_squeeze %dma_start3A_7 : memref<1x200x32xf32, #tpu.memory_space<vmem>> -> memref<200x32xf32, #tpu.memory_space<vmem>>
    %dma_start3A_9 = arith.constant 0 : i32
    %dma_start3A_10 = tpu.memref_slice %arg5[%dma_start3A, %dma_start3A_9] : memref<128x200xi32, #tpu.memory_space<vmem>> -> memref<1x200xi32, #tpu.memory_space<vmem>>
    %dma_start3A_11 = tpu.memref_squeeze %dma_start3A_10 : memref<1x200xi32, #tpu.memory_space<vmem>> -> memref<200xi32, #tpu.memory_space<vmem>>
    %dma_start3A_12 = arith.constant 0 : i32
    %dma_start3A_13 = arith.constant 0 : i32
    %dma_start3A_14 = tpu.memref_slice %arg3[%dma_start3A_12, %dma_start3A_13] : memref<1000000x32xf32, #tpu.memory_space<hbm>> -> memref<1000000x32xf32, #tpu.memory_space<hbm>>
    %dma_start3A_15 = tpu.memref_slice %arg7[%dma_start3A_4] : memref<8x!tpu.dma_semaphore, #tpu.memory_space<semaphore_mem>> -> memref<1x!tpu.dma_semaphore, #tpu.memory_space<semaphore_mem>>
    %dma_start3A_16 = tpu.memref_squeeze %dma_start3A_15 : memref<1x!tpu.dma_semaphore, #tpu.memory_space<semaphore_mem>> -> memref<!tpu.dma_semaphore, #tpu.memory_space<semaphore_mem>>
    tpu.enqueue_indirect_dma source(%dma_start3A_14 : memref<1000000x32xf32, #tpu.memory_space<hbm>>) target(%dma_start3A_8 : memref<200x32xf32, #tpu.memory_space<vmem>>) offsets(%dma_start3A_11 : memref<200xi32, #tpu.memory_space<vmem>>) semaphore(%dma_start3A_16 : memref<!tpu.dma_semaphore, #tpu.memory_space<semaphore_mem>>)
    %dma_start3A_17 = arith.constant 1 : i32
    %dma_start3A_18 = arith.constant 1 : i32
    %dma_start3A_19 = arith.constant 1 : i32
    %dma_start3A_20 = arith.constant 0 : i32
    %dma_start3A_21 = arith.constant 0 : i32
    %dma_start3A_22 = tpu.memref_slice %arg6[%dma_start3A_18, %dma_start3A_20, %dma_start3A_21] : memref<8x200x32xf32, #tpu.memory_space<vmem>> -> memref<1x200x32xf32, #tpu.memory_space<vmem>>
    %dma_start3A_23 = tpu.memref_squeeze %dma_start3A_22 : memref<1x200x32xf32, #tpu.memory_space<vmem>> -> memref<200x32xf32, #tpu.memory_space<vmem>>
    %dma_start3A_24 = arith.constant 0 : i32
    %dma_start3A_25 = tpu.memref_slice %arg5[%dma_start3A_17, %dma_start3A_24] : memref<128x200xi32, #tpu.memory_space<vmem>> -> memref<1x200xi32, #tpu.memory_space<vmem>>
    %dma_start3A_26 = tpu.memref_squeeze %dma_start3A_25 : memref<1x200xi32, #tpu.memory_space<vmem>> -> memref<200xi32, #tpu.memory_space<vmem>>
    %dma_start3A_27 = arith.constant 0 : i32
    %dma_start3A_28 = arith.constant 0 : i32
    %dma_start3A_29 = tpu.memref_slice %arg3[%dma_start3A_27, %dma_start3A_28] : memref<1000000x32xf32, #tpu.memory_space<hbm>> -> memref<1000000x32xf32, #tpu.memory_space<hbm>>
    %dma_start3A_30 = tpu.memref_slice %arg7[%dma_start3A_19] : memref<8x!tpu.dma_semaphore, #tpu.memory_space<semaphore_mem>> -> memref<1x!tpu.dma_semaphore, #tpu.memory_space<semaphore_mem>>
    %dma_start3A_31 = tpu.memref_squeeze %dma_start3A_30 : memref<1x!tpu.dma_semaphore, #tpu.memory_space<semaphore_mem>> -> memref<!tpu.dma_semaphore, #tpu.memory_space<semaphore_mem>>
    tpu.enqueue_indirect_dma source(%dma_start3A_29 : memref<1000000x32xf32, #tpu.memory_space<hbm>>) target(%dma_start3A_23 : memref<200x32xf32, #tpu.memory_space<vmem>>) offsets(%dma_start3A_26 : memref<200xi32, #tpu.memory_space<vmem>>) semaphore(%dma_start3A_31 : memref<!tpu.dma_semaphore, #tpu.memory_space<semaphore_mem>>)
    %dma_start3A_32 = arith.constant 2 : i32
    %dma_start3A_33 = arith.constant 2 : i32
    %dma_start3A_34 = arith.constant 2 : i32
    %dma_start3A_35 = arith.constant 0 : i32
    %dma_start3A_36 = arith.constant 0 : i32
    %dma_start3A_37 = tpu.memref_slice %arg6[%dma_start3A_33, %dma_start3A_35, %dma_start3A_36] : memref<8x200x32xf32, #tpu.memory_space<vmem>> -> memref<1x200x32xf32, #tpu.memory_space<vmem>>
    %dma_start3A_38 = tpu.memref_squeeze %dma_start3A_37 : memref<1x200x32xf32, #tpu.memory_space<vmem>> -> memref<200x32xf32, #tpu.memory_space<vmem>>
    %dma_start3A_39 = arith.constant 0 : i32
    %dma_start3A_40 = tpu.memref_slice %arg5[%dma_start3A_32, %dma_start3A_39] : memref<128x200xi32, #tpu.memory_space<vmem>> -> memref<1x200xi32, #tpu.memory_space<vmem>>
    %dma_start3A_41 = tpu.memref_squeeze %dma_start3A_40 : memref<1x200xi32, #tpu.memory_space<vmem>> -> memref<200xi32, #tpu.memory_space<vmem>>
    %dma_start3A_42 = arith.constant 0 : i32
    %dma_start3A_43 = arith.constant 0 : i32
    %dma_start3A_44 = tpu.memref_slice %arg3[%dma_start3A_42, %dma_start3A_43] : memref<1000000x32xf32, #tpu.memory_space<hbm>> -> memref<1000000x32xf32, #tpu.memory_space<hbm>>
    %dma_start3A_45 = tpu.memref_slice %arg7[%dma_start3A_34] : memref<8x!tpu.dma_semaphore, #tpu.memory_space<semaphore_mem>> -> memref<1x!tpu.dma_semaphore, #tpu.memory_space<semaphore_mem>>
    %dma_start3A_46 = tpu.memref_squeeze %dma_start3A_45 : memref<1x!tpu.dma_semaphore, #tpu.memory_space<semaphore_mem>> -> memref<!tpu.dma_semaphore, #tpu.memory_space<semaphore_mem>>
    tpu.enqueue_indirect_dma source(%dma_start3A_44 : memref<1000000x32xf32, #tpu.memory_space<hbm>>) target(%dma_start3A_38 : memref<200x32xf32, #tpu.memory_space<vmem>>) offsets(%dma_start3A_41 : memref<200xi32, #tpu.memory_space<vmem>>) semaphore(%dma_start3A_46 : memref<!tpu.dma_semaphore, #tpu.memory_space<semaphore_mem>>)
    %dma_start3A_47 = arith.constant 3 : i32
    %dma_start3A_48 = arith.constant 3 : i32
    %dma_start3A_49 = arith.constant 3 : i32
    %dma_start3A_50 = arith.constant 0 : i32
    %dma_start3A_51 = arith.constant 0 : i32
    %dma_start3A_52 = tpu.memref_slice %arg6[%dma_start3A_48, %dma_start3A_50, %dma_start3A_51] : memref<8x200x32xf32, #tpu.memory_space<vmem>> -> memref<1x200x32xf32, #tpu.memory_space<vmem>>
    %dma_start3A_53 = tpu.memref_squeeze %dma_start3A_52 : memref<1x200x32xf32, #tpu.memory_space<vmem>> -> memref<200x32xf32, #tpu.memory_space<vmem>>
    %dma_start3A_54 = arith.constant 0 : i32
    %dma_start3A_55 = tpu.memref_slice %arg5[%dma_start3A_47, %dma_start3A_54] : memref<128x200xi32, #tpu.memory_space<vmem>> -> memref<1x200xi32, #tpu.memory_space<vmem>>
    %dma_start3A_56 = tpu.memref_squeeze %dma_start3A_55 : memref<1x200xi32, #tpu.memory_space<vmem>> -> memref<200xi32, #tpu.memory_space<vmem>>
    %dma_start3A_57 = arith.constant 0 : i32
    %dma_start3A_58 = arith.constant 0 : i32
    %dma_start3A_59 = tpu.memref_slice %arg3[%dma_start3A_57, %dma_start3A_58] : memref<1000000x32xf32, #tpu.memory_space<hbm>> -> memref<1000000x32xf32, #tpu.memory_space<hbm>>
    %dma_start3A_60 = tpu.memref_slice %arg7[%dma_start3A_49] : memref<8x!tpu.dma_semaphore, #tpu.memory_space<semaphore_mem>> -> memref<1x!tpu.dma_semaphore, #tpu.memory_space<semaphore_mem>>
    %dma_start3A_61 = tpu.memref_squeeze %dma_start3A_60 : memref<1x!tpu.dma_semaphore, #tpu.memory_space<semaphore_mem>> -> memref<!tpu.dma_semaphore, #tpu.memory_space<semaphore_mem>>
    tpu.enqueue_indirect_dma source(%dma_start3A_59 : memref<1000000x32xf32, #tpu.memory_space<hbm>>) target(%dma_start3A_53 : memref<200x32xf32, #tpu.memory_space<vmem>>) offsets(%dma_start3A_56 : memref<200xi32, #tpu.memory_space<vmem>>) semaphore(%dma_start3A_61 : memref<!tpu.dma_semaphore, #tpu.memory_space<semaphore_mem>>)
    %dma_start3A_62 = arith.constant 4 : i32
    %dma_start3A_63 = arith.constant 4 : i32
    %dma_start3A_64 = arith.constant 4 : i32
    %dma_start3A_65 = arith.constant 0 : i32
    %dma_start3A_66 = arith.constant 0 : i32
    %dma_start3A_67 = tpu.memref_slice %arg6[%dma_start3A_63, %dma_start3A_65, %dma_start3A_66] : memref<8x200x32xf32, #tpu.memory_space<vmem>> -> memref<1x200x32xf32, #tpu.memory_space<vmem>>
    %dma_start3A_68 = tpu.memref_squeeze %dma_start3A_67 : memref<1x200x32xf32, #tpu.memory_space<vmem>> -> memref<200x32xf32, #tpu.memory_space<vmem>>
    %dma_start3A_69 = arith.constant 0 : i32
    %dma_start3A_70 = tpu.memref_slice %arg5[%dma_start3A_62, %dma_start3A_69] : memref<128x200xi32, #tpu.memory_space<vmem>> -> memref<1x200xi32, #tpu.memory_space<vmem>>
    %dma_start3A_71 = tpu.memref_squeeze %dma_start3A_70 : memref<1x200xi32, #tpu.memory_space<vmem>> -> memref<200xi32, #tpu.memory_space<vmem>>
    %dma_start3A_72 = arith.constant 0 : i32
    %dma_start3A_73 = arith.constant 0 : i32
    %dma_start3A_74 = tpu.memref_slice %arg3[%dma_start3A_72, %dma_start3A_73] : memref<1000000x32xf32, #tpu.memory_space<hbm>> -> memref<1000000x32xf32, #tpu.memory_space<hbm>>
    %dma_start3A_75 = tpu.memref_slice %arg7[%dma_start3A_64] : memref<8x!tpu.dma_semaphore, #tpu.memory_space<semaphore_mem>> -> memref<1x!tpu.dma_semaphore, #tpu.memory_space<semaphore_mem>>
    %dma_start3A_76 = tpu.memref_squeeze %dma_start3A_75 : memref<1x!tpu.dma_semaphore, #tpu.memory_space<semaphore_mem>> -> memref<!tpu.dma_semaphore, #tpu.memory_space<semaphore_mem>>
    tpu.enqueue_indirect_dma source(%dma_start3A_74 : memref<1000000x32xf32, #tpu.memory_space<hbm>>) target(%dma_start3A_68 : memref<200x32xf32, #tpu.memory_space<vmem>>) offsets(%dma_start3A_71 : memref<200xi32, #tpu.memory_space<vmem>>) semaphore(%dma_start3A_76 : memref<!tpu.dma_semaphore, #tpu.memory_space<semaphore_mem>>)
    %dma_start3A_77 = arith.constant 5 : i32
    %dma_start3A_78 = arith.constant 5 : i32
    %dma_start3A_79 = arith.constant 5 : i32
    %dma_start3A_80 = arith.constant 0 : i32
    %dma_start3A_81 = arith.constant 0 : i32
    %dma_start3A_82 = tpu.memref_slice %arg6[%dma_start3A_78, %dma_start3A_80, %dma_start3A_81] : memref<8x200x32xf32, #tpu.memory_space<vmem>> -> memref<1x200x32xf32, #tpu.memory_space<vmem>>
    %dma_start3A_83 = tpu.memref_squeeze %dma_start3A_82 : memref<1x200x32xf32, #tpu.memory_space<vmem>> -> memref<200x32xf32, #tpu.memory_space<vmem>>
    %dma_start3A_84 = arith.constant 0 : i32
    %dma_start3A_85 = tpu.memref_slice %arg5[%dma_start3A_77, %dma_start3A_84] : memref<128x200xi32, #tpu.memory_space<vmem>> -> memref<1x200xi32, #tpu.memory_space<vmem>>
    %dma_start3A_86 = tpu.memref_squeeze %dma_start3A_85 : memref<1x200xi32, #tpu.memory_space<vmem>> -> memref<200xi32, #tpu.memory_space<vmem>>
    %dma_start3A_87 = arith.constant 0 : i32
    %dma_start3A_88 = arith.constant 0 : i32
    %dma_start3A_89 = tpu.memref_slice %arg3[%dma_start3A_87, %dma_start3A_88] : memref<1000000x32xf32, #tpu.memory_space<hbm>> -> memref<1000000x32xf32, #tpu.memory_space<hbm>>
    %dma_start3A_90 = tpu.memref_slice %arg7[%dma_start3A_79] : memref<8x!tpu.dma_semaphore, #tpu.memory_space<semaphore_mem>> -> memref<1x!tpu.dma_semaphore, #tpu.memory_space<semaphore_mem>>
    %dma_start3A_91 = tpu.memref_squeeze %dma_start3A_90 : memref<1x!tpu.dma_semaphore, #tpu.memory_space<semaphore_mem>> -> memref<!tpu.dma_semaphore, #tpu.memory_space<semaphore_mem>>
    tpu.enqueue_indirect_dma source(%dma_start3A_89 : memref<1000000x32xf32, #tpu.memory_space<hbm>>) target(%dma_start3A_83 : memref<200x32xf32, #tpu.memory_space<vmem>>) offsets(%dma_start3A_86 : memref<200xi32, #tpu.memory_space<vmem>>) semaphore(%dma_start3A_91 : memref<!tpu.dma_semaphore, #tpu.memory_space<semaphore_mem>>)
    %dma_start3A_92 = arith.constant 6 : i32
    %dma_start3A_93 = arith.constant 6 : i32
    %dma_start3A_94 = arith.constant 6 : i32
    %dma_start3A_95 = arith.constant 0 : i32
    %dma_start3A_96 = arith.constant 0 : i32
    %dma_start3A_97 = tpu.memref_slice %arg6[%dma_start3A_93, %dma_start3A_95, %dma_start3A_96] : memref<8x200x32xf32, #tpu.memory_space<vmem>> -> memref<1x200x32xf32, #tpu.memory_space<vmem>>
    %dma_start3A_98 = tpu.memref_squeeze %dma_start3A_97 : memref<1x200x32xf32, #tpu.memory_space<vmem>> -> memref<200x32xf32, #tpu.memory_space<vmem>>
    %dma_start3A_99 = arith.constant 0 : i32
    %dma_start3A_100 = tpu.memref_slice %arg5[%dma_start3A_92, %dma_start3A_99] : memref<128x200xi32, #tpu.memory_space<vmem>> -> memref<1x200xi32, #tpu.memory_space<vmem>>
    %dma_start3A_101 = tpu.memref_squeeze %dma_start3A_100 : memref<1x200xi32, #tpu.memory_space<vmem>> -> memref<200xi32, #tpu.memory_space<vmem>>
    %dma_start3A_102 = arith.constant 0 : i32
    %dma_start3A_103 = arith.constant 0 : i32
    %dma_start3A_104 = tpu.memref_slice %arg3[%dma_start3A_102, %dma_start3A_103] : memref<1000000x32xf32, #tpu.memory_space<hbm>> -> memref<1000000x32xf32, #tpu.memory_space<hbm>>
    %dma_start3A_105 = tpu.memref_slice %arg7[%dma_start3A_94] : memref<8x!tpu.dma_semaphore, #tpu.memory_space<semaphore_mem>> -> memref<1x!tpu.dma_semaphore, #tpu.memory_space<semaphore_mem>>
    %dma_start3A_106 = tpu.memref_squeeze %dma_start3A_105 : memref<1x!tpu.dma_semaphore, #tpu.memory_space<semaphore_mem>> -> memref<!tpu.dma_semaphore, #tpu.memory_space<semaphore_mem>>
    tpu.enqueue_indirect_dma source(%dma_start3A_104 : memref<1000000x32xf32, #tpu.memory_space<hbm>>) target(%dma_start3A_98 : memref<200x32xf32, #tpu.memory_space<vmem>>) offsets(%dma_start3A_101 : memref<200xi32, #tpu.memory_space<vmem>>) semaphore(%dma_start3A_106 : memref<!tpu.dma_semaphore, #tpu.memory_space<semaphore_mem>>)
    %dma_start3A_107 = arith.constant 7 : i32
    %dma_start3A_108 = arith.constant 7 : i32
    %dma_start3A_109 = arith.constant 7 : i32
    %dma_start3A_110 = arith.constant 0 : i32
    %dma_start3A_111 = arith.constant 0 : i32
    %dma_start3A_112 = tpu.memref_slice %arg6[%dma_start3A_108, %dma_start3A_110, %dma_start3A_111] : memref<8x200x32xf32, #tpu.memory_space<vmem>> -> memref<1x200x32xf32, #tpu.memory_space<vmem>>
    %dma_start3A_113 = tpu.memref_squeeze %dma_start3A_112 : memref<1x200x32xf32, #tpu.memory_space<vmem>> -> memref<200x32xf32, #tpu.memory_space<vmem>>
    %dma_start3A_114 = arith.constant 0 : i32
    %dma_start3A_115 = tpu.memref_slice %arg5[%dma_start3A_107, %dma_start3A_114] : memref<128x200xi32, #tpu.memory_space<vmem>> -> memref<1x200xi32, #tpu.memory_space<vmem>>
    %dma_start3A_116 = tpu.memref_squeeze %dma_start3A_115 : memref<1x200xi32, #tpu.memory_space<vmem>> -> memref<200xi32, #tpu.memory_space<vmem>>
    %dma_start3A_117 = arith.constant 0 : i32
    %dma_start3A_118 = arith.constant 0 : i32
    %dma_start3A_119 = tpu.memref_slice %arg3[%dma_start3A_117, %dma_start3A_118] : memref<1000000x32xf32, #tpu.memory_space<hbm>> -> memref<1000000x32xf32, #tpu.memory_space<hbm>>
    %dma_start3A_120 = tpu.memref_slice %arg7[%dma_start3A_109] : memref<8x!tpu.dma_semaphore, #tpu.memory_space<semaphore_mem>> -> memref<1x!tpu.dma_semaphore, #tpu.memory_space<semaphore_mem>>
    %dma_start3A_121 = tpu.memref_squeeze %dma_start3A_120 : memref<1x!tpu.dma_semaphore, #tpu.memory_space<semaphore_mem>> -> memref<!tpu.dma_semaphore, #tpu.memory_space<semaphore_mem>>
    tpu.enqueue_indirect_dma source(%dma_start3A_119 : memref<1000000x32xf32, #tpu.memory_space<hbm>>) target(%dma_start3A_113 : memref<200x32xf32, #tpu.memory_space<vmem>>) offsets(%dma_start3A_116 : memref<200xi32, #tpu.memory_space<vmem>>) semaphore(%dma_start3A_121 : memref<!tpu.dma_semaphore, #tpu.memory_space<semaphore_mem>>)
    %scan3A = arith.constant 0 : i32
    %scan3A_122 = arith.constant 0 : i32
    %scan3A_123 = arith.constant 16 : i32
    %scan3A_124 = arith.addi %scan3A_122, %scan3A_123 : i32
    %scan3A_125 = arith.constant 1 : i32
    scf.for %scan3A_127 = %scan3A_122 to %scan3A_124 step %scan3A_125  : i32 {
      %mul3A_128 = arith.constant 8 : i32
      %mul3A_129 = arith.muli %scan3A_127, %mul3A_128 : i32
      %add3A_130 = arith.constant 0 : i32
      %add3A_131 = arith.addi %mul3A_129, %add3A_130 : i32
      %dma_wait3A = arith.constant 0 : i32
      %dma_wait3A_132 = arith.constant 0 : i32
      %dma_wait3A_133 = arith.constant 0 : i32
      %dma_wait3A_134 = arith.constant 0 : i32
      %dma_wait3A_135 = tpu.memref_slice %arg6[%dma_wait3A, %dma_wait3A_133, %dma_wait3A_134] : memref<8x200x32xf32, #tpu.memory_space<vmem>> -> memref<1x200x32xf32, #tpu.memory_space<vmem>>
      %dma_wait3A_136 = tpu.memref_squeeze %dma_wait3A_135 : memref<1x200x32xf32, #tpu.memory_space<vmem>> -> memref<200x32xf32, #tpu.memory_space<vmem>>
      %dma_wait3A_137 = arith.constant 0 : i32
      %dma_wait3A_138 = tpu.memref_slice %arg5[%add3A_131, %dma_wait3A_137] : memref<128x200xi32, #tpu.memory_space<vmem>> -> memref<1x200xi32, #tpu.memory_space<vmem>>
      %dma_wait3A_139 = tpu.memref_squeeze %dma_wait3A_138 : memref<1x200xi32, #tpu.memory_space<vmem>> -> memref<200xi32, #tpu.memory_space<vmem>>
      %dma_wait3A_140 = arith.constant 0 : i32
      %dma_wait3A_141 = arith.constant 0 : i32
      %dma_wait3A_142 = tpu.memref_slice %arg3[%dma_wait3A_140, %dma_wait3A_141] : memref<1000000x32xf32, #tpu.memory_space<hbm>> -> memref<1000000x32xf32, #tpu.memory_space<hbm>>
      %dma_wait3A_143 = tpu.memref_slice %arg7[%dma_wait3A_132] : memref<8x!tpu.dma_semaphore, #tpu.memory_space<semaphore_mem>> -> memref<1x!tpu.dma_semaphore, #tpu.memory_space<semaphore_mem>>
      %dma_wait3A_144 = tpu.memref_squeeze %dma_wait3A_143 : memref<1x!tpu.dma_semaphore, #tpu.memory_space<semaphore_mem>> -> memref<!tpu.dma_semaphore, #tpu.memory_space<semaphore_mem>>
      tpu.wait_indirect_dma semaphore(%dma_wait3A_144 : memref<!tpu.dma_semaphore, #tpu.memory_space<semaphore_mem>>) src(%dma_wait3A_142 : memref<1000000x32xf32, #tpu.memory_space<hbm>>) dst(%dma_wait3A_136 : memref<200x32xf32, #tpu.memory_space<vmem>>)
      %add3A_145 = arith.addi %mul3A_2, %mul3A_129 : i32
      %add3A_146 = arith.constant 0 : i32
      %add3A_147 = arith.addi %add3A_145, %add3A_146 : i32
      %dma_start3A_148 = arith.constant 0 : i32
      %dma_start3A_149 = arith.constant 0 : i32
      %dma_start3A_150 = arith.constant 0 : i32
      %dma_start3A_151 = arith.constant 0 : i32
      %dma_start3A_152 = tpu.memref_slice %arg6[%dma_start3A_148, %dma_start3A_150, %dma_start3A_151] : memref<8x200x32xf32, #tpu.memory_space<vmem>> -> memref<1x200x32xf32, #tpu.memory_space<vmem>>
      %dma_start3A_153 = tpu.memref_squeeze %dma_start3A_152 : memref<1x200x32xf32, #tpu.memory_space<vmem>> -> memref<200x32xf32, #tpu.memory_space<vmem>>
      %dma_start3A_154 = arith.constant 0 : i32
      %dma_start3A_155 = arith.constant 0 : i32
      %dma_start3A_156 = tpu.memref_slice %arg4[%add3A_147, %dma_start3A_154, %dma_start3A_155] : memref<4096x200x32xf32, #tpu.memory_space<hbm>> -> memref<1x200x32xf32, #tpu.memory_space<hbm>>
      %dma_start3A_157 = tpu.memref_squeeze %dma_start3A_156 : memref<1x200x32xf32, #tpu.memory_space<hbm>> -> memref<200x32xf32, #tpu.memory_space<hbm>>
      %dma_start3A_158 = tpu.memref_slice %arg8[%dma_start3A_149] : memref<8x!tpu.dma_semaphore, #tpu.memory_space<semaphore_mem>> -> memref<1x!tpu.dma_semaphore, #tpu.memory_space<semaphore_mem>>
      %dma_start3A_159 = tpu.memref_squeeze %dma_start3A_158 : memref<1x!tpu.dma_semaphore, #tpu.memory_space<semaphore_mem>> -> memref<!tpu.dma_semaphore, #tpu.memory_space<semaphore_mem>>
      %dma_start3A_160 = arith.constant 0 : i32
      %dma_start3A_161 = arith.constant 0 : i32
      %dma_start3A_162 = tpu.memref_slice %arg4[%add3A_147, %dma_start3A_160, %dma_start3A_161] : memref<4096x200x32xf32, #tpu.memory_space<hbm>> -> memref<1x200x32xf32, #tpu.memory_space<hbm>>
      %dma_start3A_163 = tpu.memref_squeeze %dma_start3A_162 : memref<1x200x32xf32, #tpu.memory_space<hbm>> -> memref<200x32xf32, #tpu.memory_space<hbm>>
      %dma_start3A_164 = arith.constant 0 : i32
      %dma_start3A_165 = arith.constant 0 : i32
      %dma_start3A_166 = tpu.memref_slice %arg6[%dma_start3A_148, %dma_start3A_164, %dma_start3A_165] : memref<8x200x32xf32, #tpu.memory_space<vmem>> -> memref<1x200x32xf32, #tpu.memory_space<vmem>>
      %dma_start3A_167 = tpu.memref_squeeze %dma_start3A_166 : memref<1x200x32xf32, #tpu.memory_space<vmem>> -> memref<200x32xf32, #tpu.memory_space<vmem>>
      tpu.enqueue_dma source(%dma_start3A_167 : memref<200x32xf32, #tpu.memory_space<vmem>>) target(%dma_start3A_163 : memref<200x32xf32, #tpu.memory_space<hbm>>) target_semaphore(%dma_start3A_159 : memref<!tpu.dma_semaphore, #tpu.memory_space<semaphore_mem>>)
      %add3A_168 = arith.constant 1 : i32
      %add3A_169 = arith.addi %mul3A_129, %add3A_168 : i32
      %dma_wait3A_170 = arith.constant 1 : i32
      %dma_wait3A_171 = arith.constant 1 : i32
      %dma_wait3A_172 = arith.constant 0 : i32
      %dma_wait3A_173 = arith.constant 0 : i32
      %dma_wait3A_174 = tpu.memref_slice %arg6[%dma_wait3A_170, %dma_wait3A_172, %dma_wait3A_173] : memref<8x200x32xf32, #tpu.memory_space<vmem>> -> memref<1x200x32xf32, #tpu.memory_space<vmem>>
      %dma_wait3A_175 = tpu.memref_squeeze %dma_wait3A_174 : memref<1x200x32xf32, #tpu.memory_space<vmem>> -> memref<200x32xf32, #tpu.memory_space<vmem>>
      %dma_wait3A_176 = arith.constant 0 : i32
      %dma_wait3A_177 = tpu.memref_slice %arg5[%add3A_169, %dma_wait3A_176] : memref<128x200xi32, #tpu.memory_space<vmem>> -> memref<1x200xi32, #tpu.memory_space<vmem>>
      %dma_wait3A_178 = tpu.memref_squeeze %dma_wait3A_177 : memref<1x200xi32, #tpu.memory_space<vmem>> -> memref<200xi32, #tpu.memory_space<vmem>>
      %dma_wait3A_179 = arith.constant 0 : i32
      %dma_wait3A_180 = arith.constant 0 : i32
      %dma_wait3A_181 = tpu.memref_slice %arg3[%dma_wait3A_179, %dma_wait3A_180] : memref<1000000x32xf32, #tpu.memory_space<hbm>> -> memref<1000000x32xf32, #tpu.memory_space<hbm>>
      %dma_wait3A_182 = tpu.memref_slice %arg7[%dma_wait3A_171] : memref<8x!tpu.dma_semaphore, #tpu.memory_space<semaphore_mem>> -> memref<1x!tpu.dma_semaphore, #tpu.memory_space<semaphore_mem>>
      %dma_wait3A_183 = tpu.memref_squeeze %dma_wait3A_182 : memref<1x!tpu.dma_semaphore, #tpu.memory_space<semaphore_mem>> -> memref<!tpu.dma_semaphore, #tpu.memory_space<semaphore_mem>>
      tpu.wait_indirect_dma semaphore(%dma_wait3A_183 : memref<!tpu.dma_semaphore, #tpu.memory_space<semaphore_mem>>) src(%dma_wait3A_181 : memref<1000000x32xf32, #tpu.memory_space<hbm>>) dst(%dma_wait3A_175 : memref<200x32xf32, #tpu.memory_space<vmem>>)
      %add3A_184 = arith.addi %mul3A_2, %mul3A_129 : i32
      %add3A_185 = arith.constant 1 : i32
      %add3A_186 = arith.addi %add3A_184, %add3A_185 : i32
      %dma_start3A_187 = arith.constant 1 : i32
      %dma_start3A_188 = arith.constant 1 : i32
      %dma_start3A_189 = arith.constant 0 : i32
      %dma_start3A_190 = arith.constant 0 : i32
      %dma_start3A_191 = tpu.memref_slice %arg6[%dma_start3A_187, %dma_start3A_189, %dma_start3A_190] : memref<8x200x32xf32, #tpu.memory_space<vmem>> -> memref<1x200x32xf32, #tpu.memory_space<vmem>>
      %dma_start3A_192 = tpu.memref_squeeze %dma_start3A_191 : memref<1x200x32xf32, #tpu.memory_space<vmem>> -> memref<200x32xf32, #tpu.memory_space<vmem>>
      %dma_start3A_193 = arith.constant 0 : i32
      %dma_start3A_194 = arith.constant 0 : i32
      %dma_start3A_195 = tpu.memref_slice %arg4[%add3A_186, %dma_start3A_193, %dma_start3A_194] : memref<4096x200x32xf32, #tpu.memory_space<hbm>> -> memref<1x200x32xf32, #tpu.memory_space<hbm>>
      %dma_start3A_196 = tpu.memref_squeeze %dma_start3A_195 : memref<1x200x32xf32, #tpu.memory_space<hbm>> -> memref<200x32xf32, #tpu.memory_space<hbm>>
      %dma_start3A_197 = tpu.memref_slice %arg8[%dma_start3A_188] : memref<8x!tpu.dma_semaphore, #tpu.memory_space<semaphore_mem>> -> memref<1x!tpu.dma_semaphore, #tpu.memory_space<semaphore_mem>>
      %dma_start3A_198 = tpu.memref_squeeze %dma_start3A_197 : memref<1x!tpu.dma_semaphore, #tpu.memory_space<semaphore_mem>> -> memref<!tpu.dma_semaphore, #tpu.memory_space<semaphore_mem>>
      %dma_start3A_199 = arith.constant 0 : i32
      %dma_start3A_200 = arith.constant 0 : i32
      %dma_start3A_201 = tpu.memref_slice %arg4[%add3A_186, %dma_start3A_199, %dma_start3A_200] : memref<4096x200x32xf32, #tpu.memory_space<hbm>> -> memref<1x200x32xf32, #tpu.memory_space<hbm>>
      %dma_start3A_202 = tpu.memref_squeeze %dma_start3A_201 : memref<1x200x32xf32, #tpu.memory_space<hbm>> -> memref<200x32xf32, #tpu.memory_space<hbm>>
      %dma_start3A_203 = arith.constant 0 : i32
      %dma_start3A_204 = arith.constant 0 : i32
      %dma_start3A_205 = tpu.memref_slice %arg6[%dma_start3A_187, %dma_start3A_203, %dma_start3A_204] : memref<8x200x32xf32, #tpu.memory_space<vmem>> -> memref<1x200x32xf32, #tpu.memory_space<vmem>>
      %dma_start3A_206 = tpu.memref_squeeze %dma_start3A_205 : memref<1x200x32xf32, #tpu.memory_space<vmem>> -> memref<200x32xf32, #tpu.memory_space<vmem>>
      tpu.enqueue_dma source(%dma_start3A_206 : memref<200x32xf32, #tpu.memory_space<vmem>>) target(%dma_start3A_202 : memref<200x32xf32, #tpu.memory_space<hbm>>) target_semaphore(%dma_start3A_198 : memref<!tpu.dma_semaphore, #tpu.memory_space<semaphore_mem>>)
      %add3A_207 = arith.constant 2 : i32
      %add3A_208 = arith.addi %mul3A_129, %add3A_207 : i32
      %dma_wait3A_209 = arith.constant 2 : i32
      %dma_wait3A_210 = arith.constant 2 : i32
      %dma_wait3A_211 = arith.constant 0 : i32
      %dma_wait3A_212 = arith.constant 0 : i32
      %dma_wait3A_213 = tpu.memref_slice %arg6[%dma_wait3A_209, %dma_wait3A_211, %dma_wait3A_212] : memref<8x200x32xf32, #tpu.memory_space<vmem>> -> memref<1x200x32xf32, #tpu.memory_space<vmem>>
      %dma_wait3A_214 = tpu.memref_squeeze %dma_wait3A_213 : memref<1x200x32xf32, #tpu.memory_space<vmem>> -> memref<200x32xf32, #tpu.memory_space<vmem>>
      %dma_wait3A_215 = arith.constant 0 : i32
      %dma_wait3A_216 = tpu.memref_slice %arg5[%add3A_208, %dma_wait3A_215] : memref<128x200xi32, #tpu.memory_space<vmem>> -> memref<1x200xi32, #tpu.memory_space<vmem>>
      %dma_wait3A_217 = tpu.memref_squeeze %dma_wait3A_216 : memref<1x200xi32, #tpu.memory_space<vmem>> -> memref<200xi32, #tpu.memory_space<vmem>>
      %dma_wait3A_218 = arith.constant 0 : i32
      %dma_wait3A_219 = arith.constant 0 : i32
      %dma_wait3A_220 = tpu.memref_slice %arg3[%dma_wait3A_218, %dma_wait3A_219] : memref<1000000x32xf32, #tpu.memory_space<hbm>> -> memref<1000000x32xf32, #tpu.memory_space<hbm>>
      %dma_wait3A_221 = tpu.memref_slice %arg7[%dma_wait3A_210] : memref<8x!tpu.dma_semaphore, #tpu.memory_space<semaphore_mem>> -> memref<1x!tpu.dma_semaphore, #tpu.memory_space<semaphore_mem>>
      %dma_wait3A_222 = tpu.memref_squeeze %dma_wait3A_221 : memref<1x!tpu.dma_semaphore, #tpu.memory_space<semaphore_mem>> -> memref<!tpu.dma_semaphore, #tpu.memory_space<semaphore_mem>>
      tpu.wait_indirect_dma semaphore(%dma_wait3A_222 : memref<!tpu.dma_semaphore, #tpu.memory_space<semaphore_mem>>) src(%dma_wait3A_220 : memref<1000000x32xf32, #tpu.memory_space<hbm>>) dst(%dma_wait3A_214 : memref<200x32xf32, #tpu.memory_space<vmem>>)
      %add3A_223 = arith.addi %mul3A_2, %mul3A_129 : i32
      %add3A_224 = arith.constant 2 : i32
      %add3A_225 = arith.addi %add3A_223, %add3A_224 : i32
      %dma_start3A_226 = arith.constant 2 : i32
      %dma_start3A_227 = arith.constant 2 : i32
      %dma_start3A_228 = arith.constant 0 : i32
      %dma_start3A_229 = arith.constant 0 : i32
      %dma_start3A_230 = tpu.memref_slice %arg6[%dma_start3A_226, %dma_start3A_228, %dma_start3A_229] : memref<8x200x32xf32, #tpu.memory_space<vmem>> -> memref<1x200x32xf32, #tpu.memory_space<vmem>>
      %dma_start3A_231 = tpu.memref_squeeze %dma_start3A_230 : memref<1x200x32xf32, #tpu.memory_space<vmem>> -> memref<200x32xf32, #tpu.memory_space<vmem>>
      %dma_start3A_232 = arith.constant 0 : i32
      %dma_start3A_233 = arith.constant 0 : i32
      %dma_start3A_234 = tpu.memref_slice %arg4[%add3A_225, %dma_start3A_232, %dma_start3A_233] : memref<4096x200x32xf32, #tpu.memory_space<hbm>> -> memref<1x200x32xf32, #tpu.memory_space<hbm>>
      %dma_start3A_235 = tpu.memref_squeeze %dma_start3A_234 : memref<1x200x32xf32, #tpu.memory_space<hbm>> -> memref<200x32xf32, #tpu.memory_space<hbm>>
      %dma_start3A_236 = tpu.memref_slice %arg8[%dma_start3A_227] : memref<8x!tpu.dma_semaphore, #tpu.memory_space<semaphore_mem>> -> memref<1x!tpu.dma_semaphore, #tpu.memory_space<semaphore_mem>>
      %dma_start3A_237 = tpu.memref_squeeze %dma_start3A_236 : memref<1x!tpu.dma_semaphore, #tpu.memory_space<semaphore_mem>> -> memref<!tpu.dma_semaphore, #tpu.memory_space<semaphore_mem>>
      %dma_start3A_238 = arith.constant 0 : i32
      %dma_start3A_239 = arith.constant 0 : i32
      %dma_start3A_240 = tpu.memref_slice %arg4[%add3A_225, %dma_start3A_238, %dma_start3A_239] : memref<4096x200x32xf32, #tpu.memory_space<hbm>> -> memref<1x200x32xf32, #tpu.memory_space<hbm>>
      %dma_start3A_241 = tpu.memref_squeeze %dma_start3A_240 : memref<1x200x32xf32, #tpu.memory_space<hbm>> -> memref<200x32xf32, #tpu.memory_space<hbm>>
      %dma_start3A_242 = arith.constant 0 : i32
      %dma_start3A_243 = arith.constant 0 : i32
      %dma_start3A_244 = tpu.memref_slice %arg6[%dma_start3A_226, %dma_start3A_242, %dma_start3A_243] : memref<8x200x32xf32, #tpu.memory_space<vmem>> -> memref<1x200x32xf32, #tpu.memory_space<vmem>>
      %dma_start3A_245 = tpu.memref_squeeze %dma_start3A_244 : memref<1x200x32xf32, #tpu.memory_space<vmem>> -> memref<200x32xf32, #tpu.memory_space<vmem>>
      tpu.enqueue_dma source(%dma_start3A_245 : memref<200x32xf32, #tpu.memory_space<vmem>>) target(%dma_start3A_241 : memref<200x32xf32, #tpu.memory_space<hbm>>) target_semaphore(%dma_start3A_237 : memref<!tpu.dma_semaphore, #tpu.memory_space<semaphore_mem>>)
      %add3A_246 = arith.constant 3 : i32
      %add3A_247 = arith.addi %mul3A_129, %add3A_246 : i32
      %dma_wait3A_248 = arith.constant 3 : i32
      %dma_wait3A_249 = arith.constant 3 : i32
      %dma_wait3A_250 = arith.constant 0 : i32
      %dma_wait3A_251 = arith.constant 0 : i32
      %dma_wait3A_252 = tpu.memref_slice %arg6[%dma_wait3A_248, %dma_wait3A_250, %dma_wait3A_251] : memref<8x200x32xf32, #tpu.memory_space<vmem>> -> memref<1x200x32xf32, #tpu.memory_space<vmem>>
      %dma_wait3A_253 = tpu.memref_squeeze %dma_wait3A_252 : memref<1x200x32xf32, #tpu.memory_space<vmem>> -> memref<200x32xf32, #tpu.memory_space<vmem>>
      %dma_wait3A_254 = arith.constant 0 : i32
      %dma_wait3A_255 = tpu.memref_slice %arg5[%add3A_247, %dma_wait3A_254] : memref<128x200xi32, #tpu.memory_space<vmem>> -> memref<1x200xi32, #tpu.memory_space<vmem>>
      %dma_wait3A_256 = tpu.memref_squeeze %dma_wait3A_255 : memref<1x200xi32, #tpu.memory_space<vmem>> -> memref<200xi32, #tpu.memory_space<vmem>>
      %dma_wait3A_257 = arith.constant 0 : i32
      %dma_wait3A_258 = arith.constant 0 : i32
      %dma_wait3A_259 = tpu.memref_slice %arg3[%dma_wait3A_257, %dma_wait3A_258] : memref<1000000x32xf32, #tpu.memory_space<hbm>> -> memref<1000000x32xf32, #tpu.memory_space<hbm>>
      %dma_wait3A_260 = tpu.memref_slice %arg7[%dma_wait3A_249] : memref<8x!tpu.dma_semaphore, #tpu.memory_space<semaphore_mem>> -> memref<1x!tpu.dma_semaphore, #tpu.memory_space<semaphore_mem>>
      %dma_wait3A_261 = tpu.memref_squeeze %dma_wait3A_260 : memref<1x!tpu.dma_semaphore, #tpu.memory_space<semaphore_mem>> -> memref<!tpu.dma_semaphore, #tpu.memory_space<semaphore_mem>>
      tpu.wait_indirect_dma semaphore(%dma_wait3A_261 : memref<!tpu.dma_semaphore, #tpu.memory_space<semaphore_mem>>) src(%dma_wait3A_259 : memref<1000000x32xf32, #tpu.memory_space<hbm>>) dst(%dma_wait3A_253 : memref<200x32xf32, #tpu.memory_space<vmem>>)
      %add3A_262 = arith.addi %mul3A_2, %mul3A_129 : i32
      %add3A_263 = arith.constant 3 : i32
      %add3A_264 = arith.addi %add3A_262, %add3A_263 : i32
      %dma_start3A_265 = arith.constant 3 : i32
      %dma_start3A_266 = arith.constant 3 : i32
      %dma_start3A_267 = arith.constant 0 : i32
      %dma_start3A_268 = arith.constant 0 : i32
      %dma_start3A_269 = tpu.memref_slice %arg6[%dma_start3A_265, %dma_start3A_267, %dma_start3A_268] : memref<8x200x32xf32, #tpu.memory_space<vmem>> -> memref<1x200x32xf32, #tpu.memory_space<vmem>>
      %dma_start3A_270 = tpu.memref_squeeze %dma_start3A_269 : memref<1x200x32xf32, #tpu.memory_space<vmem>> -> memref<200x32xf32, #tpu.memory_space<vmem>>
      %dma_start3A_271 = arith.constant 0 : i32
      %dma_start3A_272 = arith.constant 0 : i32
      %dma_start3A_273 = tpu.memref_slice %arg4[%add3A_264, %dma_start3A_271, %dma_start3A_272] : memref<4096x200x32xf32, #tpu.memory_space<hbm>> -> memref<1x200x32xf32, #tpu.memory_space<hbm>>
      %dma_start3A_274 = tpu.memref_squeeze %dma_start3A_273 : memref<1x200x32xf32, #tpu.memory_space<hbm>> -> memref<200x32xf32, #tpu.memory_space<hbm>>
      %dma_start3A_275 = tpu.memref_slice %arg8[%dma_start3A_266] : memref<8x!tpu.dma_semaphore, #tpu.memory_space<semaphore_mem>> -> memref<1x!tpu.dma_semaphore, #tpu.memory_space<semaphore_mem>>
      %dma_start3A_276 = tpu.memref_squeeze %dma_start3A_275 : memref<1x!tpu.dma_semaphore, #tpu.memory_space<semaphore_mem>> -> memref<!tpu.dma_semaphore, #tpu.memory_space<semaphore_mem>>
      %dma_start3A_277 = arith.constant 0 : i32
      %dma_start3A_278 = arith.constant 0 : i32
      %dma_start3A_279 = tpu.memref_slice %arg4[%add3A_264, %dma_start3A_277, %dma_start3A_278] : memref<4096x200x32xf32, #tpu.memory_space<hbm>> -> memref<1x200x32xf32, #tpu.memory_space<hbm>>
      %dma_start3A_280 = tpu.memref_squeeze %dma_start3A_279 : memref<1x200x32xf32, #tpu.memory_space<hbm>> -> memref<200x32xf32, #tpu.memory_space<hbm>>
      %dma_start3A_281 = arith.constant 0 : i32
      %dma_start3A_282 = arith.constant 0 : i32
      %dma_start3A_283 = tpu.memref_slice %arg6[%dma_start3A_265, %dma_start3A_281, %dma_start3A_282] : memref<8x200x32xf32, #tpu.memory_space<vmem>> -> memref<1x200x32xf32, #tpu.memory_space<vmem>>
      %dma_start3A_284 = tpu.memref_squeeze %dma_start3A_283 : memref<1x200x32xf32, #tpu.memory_space<vmem>> -> memref<200x32xf32, #tpu.memory_space<vmem>>
      tpu.enqueue_dma source(%dma_start3A_284 : memref<200x32xf32, #tpu.memory_space<vmem>>) target(%dma_start3A_280 : memref<200x32xf32, #tpu.memory_space<hbm>>) target_semaphore(%dma_start3A_276 : memref<!tpu.dma_semaphore, #tpu.memory_space<semaphore_mem>>)
      %add3A_285 = arith.constant 4 : i32
      %add3A_286 = arith.addi %mul3A_129, %add3A_285 : i32
      %dma_wait3A_287 = arith.constant 4 : i32
      %dma_wait3A_288 = arith.constant 4 : i32
      %dma_wait3A_289 = arith.constant 0 : i32
      %dma_wait3A_290 = arith.constant 0 : i32
      %dma_wait3A_291 = tpu.memref_slice %arg6[%dma_wait3A_287, %dma_wait3A_289, %dma_wait3A_290] : memref<8x200x32xf32, #tpu.memory_space<vmem>> -> memref<1x200x32xf32, #tpu.memory_space<vmem>>
      %dma_wait3A_292 = tpu.memref_squeeze %dma_wait3A_291 : memref<1x200x32xf32, #tpu.memory_space<vmem>> -> memref<200x32xf32, #tpu.memory_space<vmem>>
      %dma_wait3A_293 = arith.constant 0 : i32
      %dma_wait3A_294 = tpu.memref_slice %arg5[%add3A_286, %dma_wait3A_293] : memref<128x200xi32, #tpu.memory_space<vmem>> -> memref<1x200xi32, #tpu.memory_space<vmem>>
      %dma_wait3A_295 = tpu.memref_squeeze %dma_wait3A_294 : memref<1x200xi32, #tpu.memory_space<vmem>> -> memref<200xi32, #tpu.memory_space<vmem>>
      %dma_wait3A_296 = arith.constant 0 : i32
      %dma_wait3A_297 = arith.constant 0 : i32
      %dma_wait3A_298 = tpu.memref_slice %arg3[%dma_wait3A_296, %dma_wait3A_297] : memref<1000000x32xf32, #tpu.memory_space<hbm>> -> memref<1000000x32xf32, #tpu.memory_space<hbm>>
      %dma_wait3A_299 = tpu.memref_slice %arg7[%dma_wait3A_288] : memref<8x!tpu.dma_semaphore, #tpu.memory_space<semaphore_mem>> -> memref<1x!tpu.dma_semaphore, #tpu.memory_space<semaphore_mem>>
      %dma_wait3A_300 = tpu.memref_squeeze %dma_wait3A_299 : memref<1x!tpu.dma_semaphore, #tpu.memory_space<semaphore_mem>> -> memref<!tpu.dma_semaphore, #tpu.memory_space<semaphore_mem>>
      tpu.wait_indirect_dma semaphore(%dma_wait3A_300 : memref<!tpu.dma_semaphore, #tpu.memory_space<semaphore_mem>>) src(%dma_wait3A_298 : memref<1000000x32xf32, #tpu.memory_space<hbm>>) dst(%dma_wait3A_292 : memref<200x32xf32, #tpu.memory_space<vmem>>)
      %add3A_301 = arith.addi %mul3A_2, %mul3A_129 : i32
      %add3A_302 = arith.constant 4 : i32
      %add3A_303 = arith.addi %add3A_301, %add3A_302 : i32
      %dma_start3A_304 = arith.constant 4 : i32
      %dma_start3A_305 = arith.constant 4 : i32
      %dma_start3A_306 = arith.constant 0 : i32
      %dma_start3A_307 = arith.constant 0 : i32
      %dma_start3A_308 = tpu.memref_slice %arg6[%dma_start3A_304, %dma_start3A_306, %dma_start3A_307] : memref<8x200x32xf32, #tpu.memory_space<vmem>> -> memref<1x200x32xf32, #tpu.memory_space<vmem>>
      %dma_start3A_309 = tpu.memref_squeeze %dma_start3A_308 : memref<1x200x32xf32, #tpu.memory_space<vmem>> -> memref<200x32xf32, #tpu.memory_space<vmem>>
      %dma_start3A_310 = arith.constant 0 : i32
      %dma_start3A_311 = arith.constant 0 : i32
      %dma_start3A_312 = tpu.memref_slice %arg4[%add3A_303, %dma_start3A_310, %dma_start3A_311] : memref<4096x200x32xf32, #tpu.memory_space<hbm>> -> memref<1x200x32xf32, #tpu.memory_space<hbm>>
      %dma_start3A_313 = tpu.memref_squeeze %dma_start3A_312 : memref<1x200x32xf32, #tpu.memory_space<hbm>> -> memref<200x32xf32, #tpu.memory_space<hbm>>
      %dma_start3A_314 = tpu.memref_slice %arg8[%dma_start3A_305] : memref<8x!tpu.dma_semaphore, #tpu.memory_space<semaphore_mem>> -> memref<1x!tpu.dma_semaphore, #tpu.memory_space<semaphore_mem>>
      %dma_start3A_315 = tpu.memref_squeeze %dma_start3A_314 : memref<1x!tpu.dma_semaphore, #tpu.memory_space<semaphore_mem>> -> memref<!tpu.dma_semaphore, #tpu.memory_space<semaphore_mem>>
      %dma_start3A_316 = arith.constant 0 : i32
      %dma_start3A_317 = arith.constant 0 : i32
      %dma_start3A_318 = tpu.memref_slice %arg4[%add3A_303, %dma_start3A_316, %dma_start3A_317] : memref<4096x200x32xf32, #tpu.memory_space<hbm>> -> memref<1x200x32xf32, #tpu.memory_space<hbm>>
      %dma_start3A_319 = tpu.memref_squeeze %dma_start3A_318 : memref<1x200x32xf32, #tpu.memory_space<hbm>> -> memref<200x32xf32, #tpu.memory_space<hbm>>
      %dma_start3A_320 = arith.constant 0 : i32
      %dma_start3A_321 = arith.constant 0 : i32
      %dma_start3A_322 = tpu.memref_slice %arg6[%dma_start3A_304, %dma_start3A_320, %dma_start3A_321] : memref<8x200x32xf32, #tpu.memory_space<vmem>> -> memref<1x200x32xf32, #tpu.memory_space<vmem>>
      %dma_start3A_323 = tpu.memref_squeeze %dma_start3A_322 : memref<1x200x32xf32, #tpu.memory_space<vmem>> -> memref<200x32xf32, #tpu.memory_space<vmem>>
      tpu.enqueue_dma source(%dma_start3A_323 : memref<200x32xf32, #tpu.memory_space<vmem>>) target(%dma_start3A_319 : memref<200x32xf32, #tpu.memory_space<hbm>>) target_semaphore(%dma_start3A_315 : memref<!tpu.dma_semaphore, #tpu.memory_space<semaphore_mem>>)
      %add3A_324 = arith.constant 5 : i32
      %add3A_325 = arith.addi %mul3A_129, %add3A_324 : i32
      %dma_wait3A_326 = arith.constant 5 : i32
      %dma_wait3A_327 = arith.constant 5 : i32
      %dma_wait3A_328 = arith.constant 0 : i32
      %dma_wait3A_329 = arith.constant 0 : i32
      %dma_wait3A_330 = tpu.memref_slice %arg6[%dma_wait3A_326, %dma_wait3A_328, %dma_wait3A_329] : memref<8x200x32xf32, #tpu.memory_space<vmem>> -> memref<1x200x32xf32, #tpu.memory_space<vmem>>
      %dma_wait3A_331 = tpu.memref_squeeze %dma_wait3A_330 : memref<1x200x32xf32, #tpu.memory_space<vmem>> -> memref<200x32xf32, #tpu.memory_space<vmem>>
      %dma_wait3A_332 = arith.constant 0 : i32
      %dma_wait3A_333 = tpu.memref_slice %arg5[%add3A_325, %dma_wait3A_332] : memref<128x200xi32, #tpu.memory_space<vmem>> -> memref<1x200xi32, #tpu.memory_space<vmem>>
      %dma_wait3A_334 = tpu.memref_squeeze %dma_wait3A_333 : memref<1x200xi32, #tpu.memory_space<vmem>> -> memref<200xi32, #tpu.memory_space<vmem>>
      %dma_wait3A_335 = arith.constant 0 : i32
      %dma_wait3A_336 = arith.constant 0 : i32
      %dma_wait3A_337 = tpu.memref_slice %arg3[%dma_wait3A_335, %dma_wait3A_336] : memref<1000000x32xf32, #tpu.memory_space<hbm>> -> memref<1000000x32xf32, #tpu.memory_space<hbm>>
      %dma_wait3A_338 = tpu.memref_slice %arg7[%dma_wait3A_327] : memref<8x!tpu.dma_semaphore, #tpu.memory_space<semaphore_mem>> -> memref<1x!tpu.dma_semaphore, #tpu.memory_space<semaphore_mem>>
      %dma_wait3A_339 = tpu.memref_squeeze %dma_wait3A_338 : memref<1x!tpu.dma_semaphore, #tpu.memory_space<semaphore_mem>> -> memref<!tpu.dma_semaphore, #tpu.memory_space<semaphore_mem>>
      tpu.wait_indirect_dma semaphore(%dma_wait3A_339 : memref<!tpu.dma_semaphore, #tpu.memory_space<semaphore_mem>>) src(%dma_wait3A_337 : memref<1000000x32xf32, #tpu.memory_space<hbm>>) dst(%dma_wait3A_331 : memref<200x32xf32, #tpu.memory_space<vmem>>)
      %add3A_340 = arith.addi %mul3A_2, %mul3A_129 : i32
      %add3A_341 = arith.constant 5 : i32
      %add3A_342 = arith.addi %add3A_340, %add3A_341 : i32
      %dma_start3A_343 = arith.constant 5 : i32
      %dma_start3A_344 = arith.constant 5 : i32
      %dma_start3A_345 = arith.constant 0 : i32
      %dma_start3A_346 = arith.constant 0 : i32
      %dma_start3A_347 = tpu.memref_slice %arg6[%dma_start3A_343, %dma_start3A_345, %dma_start3A_346] : memref<8x200x32xf32, #tpu.memory_space<vmem>> -> memref<1x200x32xf32, #tpu.memory_space<vmem>>
      %dma_start3A_348 = tpu.memref_squeeze %dma_start3A_347 : memref<1x200x32xf32, #tpu.memory_space<vmem>> -> memref<200x32xf32, #tpu.memory_space<vmem>>
      %dma_start3A_349 = arith.constant 0 : i32
      %dma_start3A_350 = arith.constant 0 : i32
      %dma_start3A_351 = tpu.memref_slice %arg4[%add3A_342, %dma_start3A_349, %dma_start3A_350] : memref<4096x200x32xf32, #tpu.memory_space<hbm>> -> memref<1x200x32xf32, #tpu.memory_space<hbm>>
      %dma_start3A_352 = tpu.memref_squeeze %dma_start3A_351 : memref<1x200x32xf32, #tpu.memory_space<hbm>> -> memref<200x32xf32, #tpu.memory_space<hbm>>
      %dma_start3A_353 = tpu.memref_slice %arg8[%dma_start3A_344] : memref<8x!tpu.dma_semaphore, #tpu.memory_space<semaphore_mem>> -> memref<1x!tpu.dma_semaphore, #tpu.memory_space<semaphore_mem>>
      %dma_start3A_354 = tpu.memref_squeeze %dma_start3A_353 : memref<1x!tpu.dma_semaphore, #tpu.memory_space<semaphore_mem>> -> memref<!tpu.dma_semaphore, #tpu.memory_space<semaphore_mem>>
      %dma_start3A_355 = arith.constant 0 : i32
      %dma_start3A_356 = arith.constant 0 : i32
      %dma_start3A_357 = tpu.memref_slice %arg4[%add3A_342, %dma_start3A_355, %dma_start3A_356] : memref<4096x200x32xf32, #tpu.memory_space<hbm>> -> memref<1x200x32xf32, #tpu.memory_space<hbm>>
      %dma_start3A_358 = tpu.memref_squeeze %dma_start3A_357 : memref<1x200x32xf32, #tpu.memory_space<hbm>> -> memref<200x32xf32, #tpu.memory_space<hbm>>
      %dma_start3A_359 = arith.constant 0 : i32
      %dma_start3A_360 = arith.constant 0 : i32
      %dma_start3A_361 = tpu.memref_slice %arg6[%dma_start3A_343, %dma_start3A_359, %dma_start3A_360] : memref<8x200x32xf32, #tpu.memory_space<vmem>> -> memref<1x200x32xf32, #tpu.memory_space<vmem>>
      %dma_start3A_362 = tpu.memref_squeeze %dma_start3A_361 : memref<1x200x32xf32, #tpu.memory_space<vmem>> -> memref<200x32xf32, #tpu.memory_space<vmem>>
      tpu.enqueue_dma source(%dma_start3A_362 : memref<200x32xf32, #tpu.memory_space<vmem>>) target(%dma_start3A_358 : memref<200x32xf32, #tpu.memory_space<hbm>>) target_semaphore(%dma_start3A_354 : memref<!tpu.dma_semaphore, #tpu.memory_space<semaphore_mem>>)
      %add3A_363 = arith.constant 6 : i32
      %add3A_364 = arith.addi %mul3A_129, %add3A_363 : i32
      %dma_wait3A_365 = arith.constant 6 : i32
      %dma_wait3A_366 = arith.constant 6 : i32
      %dma_wait3A_367 = arith.constant 0 : i32
      %dma_wait3A_368 = arith.constant 0 : i32
      %dma_wait3A_369 = tpu.memref_slice %arg6[%dma_wait3A_365, %dma_wait3A_367, %dma_wait3A_368] : memref<8x200x32xf32, #tpu.memory_space<vmem>> -> memref<1x200x32xf32, #tpu.memory_space<vmem>>
      %dma_wait3A_370 = tpu.memref_squeeze %dma_wait3A_369 : memref<1x200x32xf32, #tpu.memory_space<vmem>> -> memref<200x32xf32, #tpu.memory_space<vmem>>
      %dma_wait3A_371 = arith.constant 0 : i32
      %dma_wait3A_372 = tpu.memref_slice %arg5[%add3A_364, %dma_wait3A_371] : memref<128x200xi32, #tpu.memory_space<vmem>> -> memref<1x200xi32, #tpu.memory_space<vmem>>
      %dma_wait3A_373 = tpu.memref_squeeze %dma_wait3A_372 : memref<1x200xi32, #tpu.memory_space<vmem>> -> memref<200xi32, #tpu.memory_space<vmem>>
      %dma_wait3A_374 = arith.constant 0 : i32
      %dma_wait3A_375 = arith.constant 0 : i32
      %dma_wait3A_376 = tpu.memref_slice %arg3[%dma_wait3A_374, %dma_wait3A_375] : memref<1000000x32xf32, #tpu.memory_space<hbm>> -> memref<1000000x32xf32, #tpu.memory_space<hbm>>
      %dma_wait3A_377 = tpu.memref_slice %arg7[%dma_wait3A_366] : memref<8x!tpu.dma_semaphore, #tpu.memory_space<semaphore_mem>> -> memref<1x!tpu.dma_semaphore, #tpu.memory_space<semaphore_mem>>
      %dma_wait3A_378 = tpu.memref_squeeze %dma_wait3A_377 : memref<1x!tpu.dma_semaphore, #tpu.memory_space<semaphore_mem>> -> memref<!tpu.dma_semaphore, #tpu.memory_space<semaphore_mem>>
      tpu.wait_indirect_dma semaphore(%dma_wait3A_378 : memref<!tpu.dma_semaphore, #tpu.memory_space<semaphore_mem>>) src(%dma_wait3A_376 : memref<1000000x32xf32, #tpu.memory_space<hbm>>) dst(%dma_wait3A_370 : memref<200x32xf32, #tpu.memory_space<vmem>>)
      %add3A_379 = arith.addi %mul3A_2, %mul3A_129 : i32
      %add3A_380 = arith.constant 6 : i32
      %add3A_381 = arith.addi %add3A_379, %add3A_380 : i32
      %dma_start3A_382 = arith.constant 6 : i32
      %dma_start3A_383 = arith.constant 6 : i32
      %dma_start3A_384 = arith.constant 0 : i32
      %dma_start3A_385 = arith.constant 0 : i32
      %dma_start3A_386 = tpu.memref_slice %arg6[%dma_start3A_382, %dma_start3A_384, %dma_start3A_385] : memref<8x200x32xf32, #tpu.memory_space<vmem>> -> memref<1x200x32xf32, #tpu.memory_space<vmem>>
      %dma_start3A_387 = tpu.memref_squeeze %dma_start3A_386 : memref<1x200x32xf32, #tpu.memory_space<vmem>> -> memref<200x32xf32, #tpu.memory_space<vmem>>
      %dma_start3A_388 = arith.constant 0 : i32
      %dma_start3A_389 = arith.constant 0 : i32
      %dma_start3A_390 = tpu.memref_slice %arg4[%add3A_381, %dma_start3A_388, %dma_start3A_389] : memref<4096x200x32xf32, #tpu.memory_space<hbm>> -> memref<1x200x32xf32, #tpu.memory_space<hbm>>
      %dma_start3A_391 = tpu.memref_squeeze %dma_start3A_390 : memref<1x200x32xf32, #tpu.memory_space<hbm>> -> memref<200x32xf32, #tpu.memory_space<hbm>>
      %dma_start3A_392 = tpu.memref_slice %arg8[%dma_start3A_383] : memref<8x!tpu.dma_semaphore, #tpu.memory_space<semaphore_mem>> -> memref<1x!tpu.dma_semaphore, #tpu.memory_space<semaphore_mem>>
      %dma_start3A_393 = tpu.memref_squeeze %dma_start3A_392 : memref<1x!tpu.dma_semaphore, #tpu.memory_space<semaphore_mem>> -> memref<!tpu.dma_semaphore, #tpu.memory_space<semaphore_mem>>
      %dma_start3A_394 = arith.constant 0 : i32
      %dma_start3A_395 = arith.constant 0 : i32
      %dma_start3A_396 = tpu.memref_slice %arg4[%add3A_381, %dma_start3A_394, %dma_start3A_395] : memref<4096x200x32xf32, #tpu.memory_space<hbm>> -> memref<1x200x32xf32, #tpu.memory_space<hbm>>
      %dma_start3A_397 = tpu.memref_squeeze %dma_start3A_396 : memref<1x200x32xf32, #tpu.memory_space<hbm>> -> memref<200x32xf32, #tpu.memory_space<hbm>>
      %dma_start3A_398 = arith.constant 0 : i32
      %dma_start3A_399 = arith.constant 0 : i32
      %dma_start3A_400 = tpu.memref_slice %arg6[%dma_start3A_382, %dma_start3A_398, %dma_start3A_399] : memref<8x200x32xf32, #tpu.memory_space<vmem>> -> memref<1x200x32xf32, #tpu.memory_space<vmem>>
      %dma_start3A_401 = tpu.memref_squeeze %dma_start3A_400 : memref<1x200x32xf32, #tpu.memory_space<vmem>> -> memref<200x32xf32, #tpu.memory_space<vmem>>
      tpu.enqueue_dma source(%dma_start3A_401 : memref<200x32xf32, #tpu.memory_space<vmem>>) target(%dma_start3A_397 : memref<200x32xf32, #tpu.memory_space<hbm>>) target_semaphore(%dma_start3A_393 : memref<!tpu.dma_semaphore, #tpu.memory_space<semaphore_mem>>)
      %add3A_402 = arith.constant 7 : i32
      %add3A_403 = arith.addi %mul3A_129, %add3A_402 : i32
      %dma_wait3A_404 = arith.constant 7 : i32
      %dma_wait3A_405 = arith.constant 7 : i32
      %dma_wait3A_406 = arith.constant 0 : i32
      %dma_wait3A_407 = arith.constant 0 : i32
      %dma_wait3A_408 = tpu.memref_slice %arg6[%dma_wait3A_404, %dma_wait3A_406, %dma_wait3A_407] : memref<8x200x32xf32, #tpu.memory_space<vmem>> -> memref<1x200x32xf32, #tpu.memory_space<vmem>>
      %dma_wait3A_409 = tpu.memref_squeeze %dma_wait3A_408 : memref<1x200x32xf32, #tpu.memory_space<vmem>> -> memref<200x32xf32, #tpu.memory_space<vmem>>
      %dma_wait3A_410 = arith.constant 0 : i32
      %dma_wait3A_411 = tpu.memref_slice %arg5[%add3A_403, %dma_wait3A_410] : memref<128x200xi32, #tpu.memory_space<vmem>> -> memref<1x200xi32, #tpu.memory_space<vmem>>
      %dma_wait3A_412 = tpu.memref_squeeze %dma_wait3A_411 : memref<1x200xi32, #tpu.memory_space<vmem>> -> memref<200xi32, #tpu.memory_space<vmem>>
      %dma_wait3A_413 = arith.constant 0 : i32
      %dma_wait3A_414 = arith.constant 0 : i32
      %dma_wait3A_415 = tpu.memref_slice %arg3[%dma_wait3A_413, %dma_wait3A_414] : memref<1000000x32xf32, #tpu.memory_space<hbm>> -> memref<1000000x32xf32, #tpu.memory_space<hbm>>
      %dma_wait3A_416 = tpu.memref_slice %arg7[%dma_wait3A_405] : memref<8x!tpu.dma_semaphore, #tpu.memory_space<semaphore_mem>> -> memref<1x!tpu.dma_semaphore, #tpu.memory_space<semaphore_mem>>
      %dma_wait3A_417 = tpu.memref_squeeze %dma_wait3A_416 : memref<1x!tpu.dma_semaphore, #tpu.memory_space<semaphore_mem>> -> memref<!tpu.dma_semaphore, #tpu.memory_space<semaphore_mem>>
      tpu.wait_indirect_dma semaphore(%dma_wait3A_417 : memref<!tpu.dma_semaphore, #tpu.memory_space<semaphore_mem>>) src(%dma_wait3A_415 : memref<1000000x32xf32, #tpu.memory_space<hbm>>) dst(%dma_wait3A_409 : memref<200x32xf32, #tpu.memory_space<vmem>>)
      %add3A_418 = arith.addi %mul3A_2, %mul3A_129 : i32
      %add3A_419 = arith.constant 7 : i32
      %add3A_420 = arith.addi %add3A_418, %add3A_419 : i32
      %dma_start3A_421 = arith.constant 7 : i32
      %dma_start3A_422 = arith.constant 7 : i32
      %dma_start3A_423 = arith.constant 0 : i32
      %dma_start3A_424 = arith.constant 0 : i32
      %dma_start3A_425 = tpu.memref_slice %arg6[%dma_start3A_421, %dma_start3A_423, %dma_start3A_424] : memref<8x200x32xf32, #tpu.memory_space<vmem>> -> memref<1x200x32xf32, #tpu.memory_space<vmem>>
      %dma_start3A_426 = tpu.memref_squeeze %dma_start3A_425 : memref<1x200x32xf32, #tpu.memory_space<vmem>> -> memref<200x32xf32, #tpu.memory_space<vmem>>
      %dma_start3A_427 = arith.constant 0 : i32
      %dma_start3A_428 = arith.constant 0 : i32
      %dma_start3A_429 = tpu.memref_slice %arg4[%add3A_420, %dma_start3A_427, %dma_start3A_428] : memref<4096x200x32xf32, #tpu.memory_space<hbm>> -> memref<1x200x32xf32, #tpu.memory_space<hbm>>
      %dma_start3A_430 = tpu.memref_squeeze %dma_start3A_429 : memref<1x200x32xf32, #tpu.memory_space<hbm>> -> memref<200x32xf32, #tpu.memory_space<hbm>>
      %dma_start3A_431 = tpu.memref_slice %arg8[%dma_start3A_422] : memref<8x!tpu.dma_semaphore, #tpu.memory_space<semaphore_mem>> -> memref<1x!tpu.dma_semaphore, #tpu.memory_space<semaphore_mem>>
      %dma_start3A_432 = tpu.memref_squeeze %dma_start3A_431 : memref<1x!tpu.dma_semaphore, #tpu.memory_space<semaphore_mem>> -> memref<!tpu.dma_semaphore, #tpu.memory_space<semaphore_mem>>
      %dma_start3A_433 = arith.constant 0 : i32
      %dma_start3A_434 = arith.constant 0 : i32
      %dma_start3A_435 = tpu.memref_slice %arg4[%add3A_420, %dma_start3A_433, %dma_start3A_434] : memref<4096x200x32xf32, #tpu.memory_space<hbm>> -> memref<1x200x32xf32, #tpu.memory_space<hbm>>
      %dma_start3A_436 = tpu.memref_squeeze %dma_start3A_435 : memref<1x200x32xf32, #tpu.memory_space<hbm>> -> memref<200x32xf32, #tpu.memory_space<hbm>>
      %dma_start3A_437 = arith.constant 0 : i32
      %dma_start3A_438 = arith.constant 0 : i32
      %dma_start3A_439 = tpu.memref_slice %arg6[%dma_start3A_421, %dma_start3A_437, %dma_start3A_438] : memref<8x200x32xf32, #tpu.memory_space<vmem>> -> memref<1x200x32xf32, #tpu.memory_space<vmem>>
      %dma_start3A_440 = tpu.memref_squeeze %dma_start3A_439 : memref<1x200x32xf32, #tpu.memory_space<vmem>> -> memref<200x32xf32, #tpu.memory_space<vmem>>
      tpu.enqueue_dma source(%dma_start3A_440 : memref<200x32xf32, #tpu.memory_space<vmem>>) target(%dma_start3A_436 : memref<200x32xf32, #tpu.memory_space<hbm>>) target_semaphore(%dma_start3A_432 : memref<!tpu.dma_semaphore, #tpu.memory_space<semaphore_mem>>)
      %add3A_441 = arith.addi %mul3A_2, %mul3A_129 : i32
      %add3A_442 = arith.constant 0 : i32
      %add3A_443 = arith.addi %add3A_441, %add3A_442 : i32
      %dma_wait3A_444 = arith.constant 0 : i32
      %dma_wait3A_445 = arith.constant 0 : i32
      %dma_wait3A_446 = arith.constant 0 : i32
      %dma_wait3A_447 = arith.constant 0 : i32
      %dma_wait3A_448 = tpu.memref_slice %arg6[%dma_wait3A_444, %dma_wait3A_446, %dma_wait3A_447] : memref<8x200x32xf32, #tpu.memory_space<vmem>> -> memref<1x200x32xf32, #tpu.memory_space<vmem>>
      %dma_wait3A_449 = tpu.memref_squeeze %dma_wait3A_448 : memref<1x200x32xf32, #tpu.memory_space<vmem>> -> memref<200x32xf32, #tpu.memory_space<vmem>>
      %dma_wait3A_450 = arith.constant 0 : i32
      %dma_wait3A_451 = arith.constant 0 : i32
      %dma_wait3A_452 = tpu.memref_slice %arg4[%add3A_443, %dma_wait3A_450, %dma_wait3A_451] : memref<4096x200x32xf32, #tpu.memory_space<hbm>> -> memref<1x200x32xf32, #tpu.memory_space<hbm>>
      %dma_wait3A_453 = tpu.memref_squeeze %dma_wait3A_452 : memref<1x200x32xf32, #tpu.memory_space<hbm>> -> memref<200x32xf32, #tpu.memory_space<hbm>>
      %dma_wait3A_454 = tpu.memref_slice %arg8[%dma_wait3A_445] : memref<8x!tpu.dma_semaphore, #tpu.memory_space<semaphore_mem>> -> memref<1x!tpu.dma_semaphore, #tpu.memory_space<semaphore_mem>>
      %dma_wait3A_455 = tpu.memref_squeeze %dma_wait3A_454 : memref<1x!tpu.dma_semaphore, #tpu.memory_space<semaphore_mem>> -> memref<!tpu.dma_semaphore, #tpu.memory_space<semaphore_mem>>
      %dma_wait3A_456 = arith.constant 0 : i32
      %dma_wait3A_457 = arith.constant 0 : i32
      %dma_wait3A_458 = tpu.memref_slice %arg4[%add3A_443, %dma_wait3A_456, %dma_wait3A_457] : memref<4096x200x32xf32, #tpu.memory_space<hbm>> -> memref<1x200x32xf32, #tpu.memory_space<hbm>>
      %dma_wait3A_459 = tpu.memref_squeeze %dma_wait3A_458 : memref<1x200x32xf32, #tpu.memory_space<hbm>> -> memref<200x32xf32, #tpu.memory_space<hbm>>
      %dma_wait3A_460 = arith.constant 0 : i32
      %dma_wait3A_461 = arith.constant 0 : i32
      %dma_wait3A_462 = tpu.memref_slice %arg6[%dma_wait3A_444, %dma_wait3A_460, %dma_wait3A_461] : memref<8x200x32xf32, #tpu.memory_space<vmem>> -> memref<1x200x32xf32, #tpu.memory_space<vmem>>
      %dma_wait3A_463 = tpu.memref_squeeze %dma_wait3A_462 : memref<1x200x32xf32, #tpu.memory_space<vmem>> -> memref<200x32xf32, #tpu.memory_space<vmem>>
      tpu.wait_dma2 semaphore(%dma_wait3A_455 : memref<!tpu.dma_semaphore, #tpu.memory_space<semaphore_mem>>) src(%dma_wait3A_463 : memref<200x32xf32, #tpu.memory_space<vmem>>) dst(%dma_wait3A_459 : memref<200x32xf32, #tpu.memory_space<hbm>>)
      %add3A_464 = arith.constant 1 : i32
      %add3A_465 = arith.addi %scan3A_127, %add3A_464 : i32
      %lt3A = arith.constant 16 : i32
      %lt3A_466 = arith.cmpi slt, %add3A_465, %lt3A : i32
      %convert_element_type3A = arith.extui %lt3A_466 : i1 to i32
      %cond3A = arith.constant 0 : i32
      %cond3A_467 = arith.cmpi ne, %convert_element_type3A, %cond3A : i32
      scf.if %cond3A_467 {
        %add3A_678 = arith.constant 8 : i32
        %add3A_679 = arith.addi %mul3A_129, %add3A_678 : i32
        %add3A_680 = arith.constant 0 : i32
        %add3A_681 = arith.addi %add3A_679, %add3A_680 : i32
        %dma_start3A_682 = arith.constant 0 : i32
        %dma_start3A_683 = arith.constant 0 : i32
        %dma_start3A_684 = arith.constant 0 : i32
        %dma_start3A_685 = arith.constant 0 : i32
        %dma_start3A_686 = tpu.memref_slice %arg6[%dma_start3A_682, %dma_start3A_684, %dma_start3A_685] : memref<8x200x32xf32, #tpu.memory_space<vmem>> -> memref<1x200x32xf32, #tpu.memory_space<vmem>>
        %dma_start3A_687 = tpu.memref_squeeze %dma_start3A_686 : memref<1x200x32xf32, #tpu.memory_space<vmem>> -> memref<200x32xf32, #tpu.memory_space<vmem>>
        %dma_start3A_688 = arith.constant 0 : i32
        %dma_start3A_689 = tpu.memref_slice %arg5[%add3A_681, %dma_start3A_688] : memref<128x200xi32, #tpu.memory_space<vmem>> -> memref<1x200xi32, #tpu.memory_space<vmem>>
        %dma_start3A_690 = tpu.memref_squeeze %dma_start3A_689 : memref<1x200xi32, #tpu.memory_space<vmem>> -> memref<200xi32, #tpu.memory_space<vmem>>
        %dma_start3A_691 = arith.constant 0 : i32
        %dma_start3A_692 = arith.constant 0 : i32
        %dma_start3A_693 = tpu.memref_slice %arg3[%dma_start3A_691, %dma_start3A_692] : memref<1000000x32xf32, #tpu.memory_space<hbm>> -> memref<1000000x32xf32, #tpu.memory_space<hbm>>
        %dma_start3A_694 = tpu.memref_slice %arg7[%dma_start3A_683] : memref<8x!tpu.dma_semaphore, #tpu.memory_space<semaphore_mem>> -> memref<1x!tpu.dma_semaphore, #tpu.memory_space<semaphore_mem>>
        %dma_start3A_695 = tpu.memref_squeeze %dma_start3A_694 : memref<1x!tpu.dma_semaphore, #tpu.memory_space<semaphore_mem>> -> memref<!tpu.dma_semaphore, #tpu.memory_space<semaphore_mem>>
        tpu.enqueue_indirect_dma source(%dma_start3A_693 : memref<1000000x32xf32, #tpu.memory_space<hbm>>) target(%dma_start3A_687 : memref<200x32xf32, #tpu.memory_space<vmem>>) offsets(%dma_start3A_690 : memref<200xi32, #tpu.memory_space<vmem>>) semaphore(%dma_start3A_695 : memref<!tpu.dma_semaphore, #tpu.memory_space<semaphore_mem>>)
      } else {
      }
      %add3A_468 = arith.addi %mul3A_2, %mul3A_129 : i32
      %add3A_469 = arith.constant 1 : i32
      %add3A_470 = arith.addi %add3A_468, %add3A_469 : i32
      %dma_wait3A_471 = arith.constant 1 : i32
      %dma_wait3A_472 = arith.constant 1 : i32
      %dma_wait3A_473 = arith.constant 0 : i32
      %dma_wait3A_474 = arith.constant 0 : i32
      %dma_wait3A_475 = tpu.memref_slice %arg6[%dma_wait3A_471, %dma_wait3A_473, %dma_wait3A_474] : memref<8x200x32xf32, #tpu.memory_space<vmem>> -> memref<1x200x32xf32, #tpu.memory_space<vmem>>
      %dma_wait3A_476 = tpu.memref_squeeze %dma_wait3A_475 : memref<1x200x32xf32, #tpu.memory_space<vmem>> -> memref<200x32xf32, #tpu.memory_space<vmem>>
      %dma_wait3A_477 = arith.constant 0 : i32
      %dma_wait3A_478 = arith.constant 0 : i32
      %dma_wait3A_479 = tpu.memref_slice %arg4[%add3A_470, %dma_wait3A_477, %dma_wait3A_478] : memref<4096x200x32xf32, #tpu.memory_space<hbm>> -> memref<1x200x32xf32, #tpu.memory_space<hbm>>
      %dma_wait3A_480 = tpu.memref_squeeze %dma_wait3A_479 : memref<1x200x32xf32, #tpu.memory_space<hbm>> -> memref<200x32xf32, #tpu.memory_space<hbm>>
      %dma_wait3A_481 = tpu.memref_slice %arg8[%dma_wait3A_472] : memref<8x!tpu.dma_semaphore, #tpu.memory_space<semaphore_mem>> -> memref<1x!tpu.dma_semaphore, #tpu.memory_space<semaphore_mem>>
      %dma_wait3A_482 = tpu.memref_squeeze %dma_wait3A_481 : memref<1x!tpu.dma_semaphore, #tpu.memory_space<semaphore_mem>> -> memref<!tpu.dma_semaphore, #tpu.memory_space<semaphore_mem>>
      %dma_wait3A_483 = arith.constant 0 : i32
      %dma_wait3A_484 = arith.constant 0 : i32
      %dma_wait3A_485 = tpu.memref_slice %arg4[%add3A_470, %dma_wait3A_483, %dma_wait3A_484] : memref<4096x200x32xf32, #tpu.memory_space<hbm>> -> memref<1x200x32xf32, #tpu.memory_space<hbm>>
      %dma_wait3A_486 = tpu.memref_squeeze %dma_wait3A_485 : memref<1x200x32xf32, #tpu.memory_space<hbm>> -> memref<200x32xf32, #tpu.memory_space<hbm>>
      %dma_wait3A_487 = arith.constant 0 : i32
      %dma_wait3A_488 = arith.constant 0 : i32
      %dma_wait3A_489 = tpu.memref_slice %arg6[%dma_wait3A_471, %dma_wait3A_487, %dma_wait3A_488] : memref<8x200x32xf32, #tpu.memory_space<vmem>> -> memref<1x200x32xf32, #tpu.memory_space<vmem>>
      %dma_wait3A_490 = tpu.memref_squeeze %dma_wait3A_489 : memref<1x200x32xf32, #tpu.memory_space<vmem>> -> memref<200x32xf32, #tpu.memory_space<vmem>>
      tpu.wait_dma2 semaphore(%dma_wait3A_482 : memref<!tpu.dma_semaphore, #tpu.memory_space<semaphore_mem>>) src(%dma_wait3A_490 : memref<200x32xf32, #tpu.memory_space<vmem>>) dst(%dma_wait3A_486 : memref<200x32xf32, #tpu.memory_space<hbm>>)
      %add3A_491 = arith.constant 1 : i32
      %add3A_492 = arith.addi %scan3A_127, %add3A_491 : i32
      %lt3A_493 = arith.constant 16 : i32
      %lt3A_494 = arith.cmpi slt, %add3A_492, %lt3A_493 : i32
      %convert_element_type3A_495 = arith.extui %lt3A_494 : i1 to i32
      %cond3A_496 = arith.constant 0 : i32
      %cond3A_497 = arith.cmpi ne, %convert_element_type3A_495, %cond3A_496 : i32
      scf.if %cond3A_497 {
        %add3A_678 = arith.constant 8 : i32
        %add3A_679 = arith.addi %mul3A_129, %add3A_678 : i32
        %add3A_680 = arith.constant 1 : i32
        %add3A_681 = arith.addi %add3A_679, %add3A_680 : i32
        %dma_start3A_682 = arith.constant 1 : i32
        %dma_start3A_683 = arith.constant 1 : i32
        %dma_start3A_684 = arith.constant 0 : i32
        %dma_start3A_685 = arith.constant 0 : i32
        %dma_start3A_686 = tpu.memref_slice %arg6[%dma_start3A_682, %dma_start3A_684, %dma_start3A_685] : memref<8x200x32xf32, #tpu.memory_space<vmem>> -> memref<1x200x32xf32, #tpu.memory_space<vmem>>
        %dma_start3A_687 = tpu.memref_squeeze %dma_start3A_686 : memref<1x200x32xf32, #tpu.memory_space<vmem>> -> memref<200x32xf32, #tpu.memory_space<vmem>>
        %dma_start3A_688 = arith.constant 0 : i32
        %dma_start3A_689 = tpu.memref_slice %arg5[%add3A_681, %dma_start3A_688] : memref<128x200xi32, #tpu.memory_space<vmem>> -> memref<1x200xi32, #tpu.memory_space<vmem>>
        %dma_start3A_690 = tpu.memref_squeeze %dma_start3A_689 : memref<1x200xi32, #tpu.memory_space<vmem>> -> memref<200xi32, #tpu.memory_space<vmem>>
        %dma_start3A_691 = arith.constant 0 : i32
        %dma_start3A_692 = arith.constant 0 : i32
        %dma_start3A_693 = tpu.memref_slice %arg3[%dma_start3A_691, %dma_start3A_692] : memref<1000000x32xf32, #tpu.memory_space<hbm>> -> memref<1000000x32xf32, #tpu.memory_space<hbm>>
        %dma_start3A_694 = tpu.memref_slice %arg7[%dma_start3A_683] : memref<8x!tpu.dma_semaphore, #tpu.memory_space<semaphore_mem>> -> memref<1x!tpu.dma_semaphore, #tpu.memory_space<semaphore_mem>>
        %dma_start3A_695 = tpu.memref_squeeze %dma_start3A_694 : memref<1x!tpu.dma_semaphore, #tpu.memory_space<semaphore_mem>> -> memref<!tpu.dma_semaphore, #tpu.memory_space<semaphore_mem>>
        tpu.enqueue_indirect_dma source(%dma_start3A_693 : memref<1000000x32xf32, #tpu.memory_space<hbm>>) target(%dma_start3A_687 : memref<200x32xf32, #tpu.memory_space<vmem>>) offsets(%dma_start3A_690 : memref<200xi32, #tpu.memory_space<vmem>>) semaphore(%dma_start3A_695 : memref<!tpu.dma_semaphore, #tpu.memory_space<semaphore_mem>>)
      } else {
      }
      %add3A_498 = arith.addi %mul3A_2, %mul3A_129 : i32
      %add3A_499 = arith.constant 2 : i32
      %add3A_500 = arith.addi %add3A_498, %add3A_499 : i32
      %dma_wait3A_501 = arith.constant 2 : i32
      %dma_wait3A_502 = arith.constant 2 : i32
      %dma_wait3A_503 = arith.constant 0 : i32
      %dma_wait3A_504 = arith.constant 0 : i32
      %dma_wait3A_505 = tpu.memref_slice %arg6[%dma_wait3A_501, %dma_wait3A_503, %dma_wait3A_504] : memref<8x200x32xf32, #tpu.memory_space<vmem>> -> memref<1x200x32xf32, #tpu.memory_space<vmem>>
      %dma_wait3A_506 = tpu.memref_squeeze %dma_wait3A_505 : memref<1x200x32xf32, #tpu.memory_space<vmem>> -> memref<200x32xf32, #tpu.memory_space<vmem>>
      %dma_wait3A_507 = arith.constant 0 : i32
      %dma_wait3A_508 = arith.constant 0 : i32
      %dma_wait3A_509 = tpu.memref_slice %arg4[%add3A_500, %dma_wait3A_507, %dma_wait3A_508] : memref<4096x200x32xf32, #tpu.memory_space<hbm>> -> memref<1x200x32xf32, #tpu.memory_space<hbm>>
      %dma_wait3A_510 = tpu.memref_squeeze %dma_wait3A_509 : memref<1x200x32xf32, #tpu.memory_space<hbm>> -> memref<200x32xf32, #tpu.memory_space<hbm>>
      %dma_wait3A_511 = tpu.memref_slice %arg8[%dma_wait3A_502] : memref<8x!tpu.dma_semaphore, #tpu.memory_space<semaphore_mem>> -> memref<1x!tpu.dma_semaphore, #tpu.memory_space<semaphore_mem>>
      %dma_wait3A_512 = tpu.memref_squeeze %dma_wait3A_511 : memref<1x!tpu.dma_semaphore, #tpu.memory_space<semaphore_mem>> -> memref<!tpu.dma_semaphore, #tpu.memory_space<semaphore_mem>>
      %dma_wait3A_513 = arith.constant 0 : i32
      %dma_wait3A_514 = arith.constant 0 : i32
      %dma_wait3A_515 = tpu.memref_slice %arg4[%add3A_500, %dma_wait3A_513, %dma_wait3A_514] : memref<4096x200x32xf32, #tpu.memory_space<hbm>> -> memref<1x200x32xf32, #tpu.memory_space<hbm>>
      %dma_wait3A_516 = tpu.memref_squeeze %dma_wait3A_515 : memref<1x200x32xf32, #tpu.memory_space<hbm>> -> memref<200x32xf32, #tpu.memory_space<hbm>>
      %dma_wait3A_517 = arith.constant 0 : i32
      %dma_wait3A_518 = arith.constant 0 : i32
      %dma_wait3A_519 = tpu.memref_slice %arg6[%dma_wait3A_501, %dma_wait3A_517, %dma_wait3A_518] : memref<8x200x32xf32, #tpu.memory_space<vmem>> -> memref<1x200x32xf32, #tpu.memory_space<vmem>>
      %dma_wait3A_520 = tpu.memref_squeeze %dma_wait3A_519 : memref<1x200x32xf32, #tpu.memory_space<vmem>> -> memref<200x32xf32, #tpu.memory_space<vmem>>
      tpu.wait_dma2 semaphore(%dma_wait3A_512 : memref<!tpu.dma_semaphore, #tpu.memory_space<semaphore_mem>>) src(%dma_wait3A_520 : memref<200x32xf32, #tpu.memory_space<vmem>>) dst(%dma_wait3A_516 : memref<200x32xf32, #tpu.memory_space<hbm>>)
      %add3A_521 = arith.constant 1 : i32
      %add3A_522 = arith.addi %scan3A_127, %add3A_521 : i32
      %lt3A_523 = arith.constant 16 : i32
      %lt3A_524 = arith.cmpi slt, %add3A_522, %lt3A_523 : i32
      %convert_element_type3A_525 = arith.extui %lt3A_524 : i1 to i32
      %cond3A_526 = arith.constant 0 : i32
      %cond3A_527 = arith.cmpi ne, %convert_element_type3A_525, %cond3A_526 : i32
      scf.if %cond3A_527 {
        %add3A_678 = arith.constant 8 : i32
        %add3A_679 = arith.addi %mul3A_129, %add3A_678 : i32
        %add3A_680 = arith.constant 2 : i32
        %add3A_681 = arith.addi %add3A_679, %add3A_680 : i32
        %dma_start3A_682 = arith.constant 2 : i32
        %dma_start3A_683 = arith.constant 2 : i32
        %dma_start3A_684 = arith.constant 0 : i32
        %dma_start3A_685 = arith.constant 0 : i32
        %dma_start3A_686 = tpu.memref_slice %arg6[%dma_start3A_682, %dma_start3A_684, %dma_start3A_685] : memref<8x200x32xf32, #tpu.memory_space<vmem>> -> memref<1x200x32xf32, #tpu.memory_space<vmem>>
        %dma_start3A_687 = tpu.memref_squeeze %dma_start3A_686 : memref<1x200x32xf32, #tpu.memory_space<vmem>> -> memref<200x32xf32, #tpu.memory_space<vmem>>
        %dma_start3A_688 = arith.constant 0 : i32
        %dma_start3A_689 = tpu.memref_slice %arg5[%add3A_681, %dma_start3A_688] : memref<128x200xi32, #tpu.memory_space<vmem>> -> memref<1x200xi32, #tpu.memory_space<vmem>>
        %dma_start3A_690 = tpu.memref_squeeze %dma_start3A_689 : memref<1x200xi32, #tpu.memory_space<vmem>> -> memref<200xi32, #tpu.memory_space<vmem>>
        %dma_start3A_691 = arith.constant 0 : i32
        %dma_start3A_692 = arith.constant 0 : i32
        %dma_start3A_693 = tpu.memref_slice %arg3[%dma_start3A_691, %dma_start3A_692] : memref<1000000x32xf32, #tpu.memory_space<hbm>> -> memref<1000000x32xf32, #tpu.memory_space<hbm>>
        %dma_start3A_694 = tpu.memref_slice %arg7[%dma_start3A_683] : memref<8x!tpu.dma_semaphore, #tpu.memory_space<semaphore_mem>> -> memref<1x!tpu.dma_semaphore, #tpu.memory_space<semaphore_mem>>
        %dma_start3A_695 = tpu.memref_squeeze %dma_start3A_694 : memref<1x!tpu.dma_semaphore, #tpu.memory_space<semaphore_mem>> -> memref<!tpu.dma_semaphore, #tpu.memory_space<semaphore_mem>>
        tpu.enqueue_indirect_dma source(%dma_start3A_693 : memref<1000000x32xf32, #tpu.memory_space<hbm>>) target(%dma_start3A_687 : memref<200x32xf32, #tpu.memory_space<vmem>>) offsets(%dma_start3A_690 : memref<200xi32, #tpu.memory_space<vmem>>) semaphore(%dma_start3A_695 : memref<!tpu.dma_semaphore, #tpu.memory_space<semaphore_mem>>)
      } else {
      }
      %add3A_528 = arith.addi %mul3A_2, %mul3A_129 : i32
      %add3A_529 = arith.constant 3 : i32
      %add3A_530 = arith.addi %add3A_528, %add3A_529 : i32
      %dma_wait3A_531 = arith.constant 3 : i32
      %dma_wait3A_532 = arith.constant 3 : i32
      %dma_wait3A_533 = arith.constant 0 : i32
      %dma_wait3A_534 = arith.constant 0 : i32
      %dma_wait3A_535 = tpu.memref_slice %arg6[%dma_wait3A_531, %dma_wait3A_533, %dma_wait3A_534] : memref<8x200x32xf32, #tpu.memory_space<vmem>> -> memref<1x200x32xf32, #tpu.memory_space<vmem>>
      %dma_wait3A_536 = tpu.memref_squeeze %dma_wait3A_535 : memref<1x200x32xf32, #tpu.memory_space<vmem>> -> memref<200x32xf32, #tpu.memory_space<vmem>>
      %dma_wait3A_537 = arith.constant 0 : i32
      %dma_wait3A_538 = arith.constant 0 : i32
      %dma_wait3A_539 = tpu.memref_slice %arg4[%add3A_530, %dma_wait3A_537, %dma_wait3A_538] : memref<4096x200x32xf32, #tpu.memory_space<hbm>> -> memref<1x200x32xf32, #tpu.memory_space<hbm>>
      %dma_wait3A_540 = tpu.memref_squeeze %dma_wait3A_539 : memref<1x200x32xf32, #tpu.memory_space<hbm>> -> memref<200x32xf32, #tpu.memory_space<hbm>>
      %dma_wait3A_541 = tpu.memref_slice %arg8[%dma_wait3A_532] : memref<8x!tpu.dma_semaphore, #tpu.memory_space<semaphore_mem>> -> memref<1x!tpu.dma_semaphore, #tpu.memory_space<semaphore_mem>>
      %dma_wait3A_542 = tpu.memref_squeeze %dma_wait3A_541 : memref<1x!tpu.dma_semaphore, #tpu.memory_space<semaphore_mem>> -> memref<!tpu.dma_semaphore, #tpu.memory_space<semaphore_mem>>
      %dma_wait3A_543 = arith.constant 0 : i32
      %dma_wait3A_544 = arith.constant 0 : i32
      %dma_wait3A_545 = tpu.memref_slice %arg4[%add3A_530, %dma_wait3A_543, %dma_wait3A_544] : memref<4096x200x32xf32, #tpu.memory_space<hbm>> -> memref<1x200x32xf32, #tpu.memory_space<hbm>>
      %dma_wait3A_546 = tpu.memref_squeeze %dma_wait3A_545 : memref<1x200x32xf32, #tpu.memory_space<hbm>> -> memref<200x32xf32, #tpu.memory_space<hbm>>
      %dma_wait3A_547 = arith.constant 0 : i32
      %dma_wait3A_548 = arith.constant 0 : i32
      %dma_wait3A_549 = tpu.memref_slice %arg6[%dma_wait3A_531, %dma_wait3A_547, %dma_wait3A_548] : memref<8x200x32xf32, #tpu.memory_space<vmem>> -> memref<1x200x32xf32, #tpu.memory_space<vmem>>
      %dma_wait3A_550 = tpu.memref_squeeze %dma_wait3A_549 : memref<1x200x32xf32, #tpu.memory_space<vmem>> -> memref<200x32xf32, #tpu.memory_space<vmem>>
      tpu.wait_dma2 semaphore(%dma_wait3A_542 : memref<!tpu.dma_semaphore, #tpu.memory_space<semaphore_mem>>) src(%dma_wait3A_550 : memref<200x32xf32, #tpu.memory_space<vmem>>) dst(%dma_wait3A_546 : memref<200x32xf32, #tpu.memory_space<hbm>>)
      %add3A_551 = arith.constant 1 : i32
      %add3A_552 = arith.addi %scan3A_127, %add3A_551 : i32
      %lt3A_553 = arith.constant 16 : i32
      %lt3A_554 = arith.cmpi slt, %add3A_552, %lt3A_553 : i32
      %convert_element_type3A_555 = arith.extui %lt3A_554 : i1 to i32
      %cond3A_556 = arith.constant 0 : i32
      %cond3A_557 = arith.cmpi ne, %convert_element_type3A_555, %cond3A_556 : i32
      scf.if %cond3A_557 {
        %add3A_678 = arith.constant 8 : i32
        %add3A_679 = arith.addi %mul3A_129, %add3A_678 : i32
        %add3A_680 = arith.constant 3 : i32
        %add3A_681 = arith.addi %add3A_679, %add3A_680 : i32
        %dma_start3A_682 = arith.constant 3 : i32
        %dma_start3A_683 = arith.constant 3 : i32
        %dma_start3A_684 = arith.constant 0 : i32
        %dma_start3A_685 = arith.constant 0 : i32
        %dma_start3A_686 = tpu.memref_slice %arg6[%dma_start3A_682, %dma_start3A_684, %dma_start3A_685] : memref<8x200x32xf32, #tpu.memory_space<vmem>> -> memref<1x200x32xf32, #tpu.memory_space<vmem>>
        %dma_start3A_687 = tpu.memref_squeeze %dma_start3A_686 : memref<1x200x32xf32, #tpu.memory_space<vmem>> -> memref<200x32xf32, #tpu.memory_space<vmem>>
        %dma_start3A_688 = arith.constant 0 : i32
        %dma_start3A_689 = tpu.memref_slice %arg5[%add3A_681, %dma_start3A_688] : memref<128x200xi32, #tpu.memory_space<vmem>> -> memref<1x200xi32, #tpu.memory_space<vmem>>
        %dma_start3A_690 = tpu.memref_squeeze %dma_start3A_689 : memref<1x200xi32, #tpu.memory_space<vmem>> -> memref<200xi32, #tpu.memory_space<vmem>>
        %dma_start3A_691 = arith.constant 0 : i32
        %dma_start3A_692 = arith.constant 0 : i32
        %dma_start3A_693 = tpu.memref_slice %arg3[%dma_start3A_691, %dma_start3A_692] : memref<1000000x32xf32, #tpu.memory_space<hbm>> -> memref<1000000x32xf32, #tpu.memory_space<hbm>>
        %dma_start3A_694 = tpu.memref_slice %arg7[%dma_start3A_683] : memref<8x!tpu.dma_semaphore, #tpu.memory_space<semaphore_mem>> -> memref<1x!tpu.dma_semaphore, #tpu.memory_space<semaphore_mem>>
        %dma_start3A_695 = tpu.memref_squeeze %dma_start3A_694 : memref<1x!tpu.dma_semaphore, #tpu.memory_space<semaphore_mem>> -> memref<!tpu.dma_semaphore, #tpu.memory_space<semaphore_mem>>
        tpu.enqueue_indirect_dma source(%dma_start3A_693 : memref<1000000x32xf32, #tpu.memory_space<hbm>>) target(%dma_start3A_687 : memref<200x32xf32, #tpu.memory_space<vmem>>) offsets(%dma_start3A_690 : memref<200xi32, #tpu.memory_space<vmem>>) semaphore(%dma_start3A_695 : memref<!tpu.dma_semaphore, #tpu.memory_space<semaphore_mem>>)
      } else {
      }
      %add3A_558 = arith.addi %mul3A_2, %mul3A_129 : i32
      %add3A_559 = arith.constant 4 : i32
      %add3A_560 = arith.addi %add3A_558, %add3A_559 : i32
      %dma_wait3A_561 = arith.constant 4 : i32
      %dma_wait3A_562 = arith.constant 4 : i32
      %dma_wait3A_563 = arith.constant 0 : i32
      %dma_wait3A_564 = arith.constant 0 : i32
      %dma_wait3A_565 = tpu.memref_slice %arg6[%dma_wait3A_561, %dma_wait3A_563, %dma_wait3A_564] : memref<8x200x32xf32, #tpu.memory_space<vmem>> -> memref<1x200x32xf32, #tpu.memory_space<vmem>>
      %dma_wait3A_566 = tpu.memref_squeeze %dma_wait3A_565 : memref<1x200x32xf32, #tpu.memory_space<vmem>> -> memref<200x32xf32, #tpu.memory_space<vmem>>
      %dma_wait3A_567 = arith.constant 0 : i32
      %dma_wait3A_568 = arith.constant 0 : i32
      %dma_wait3A_569 = tpu.memref_slice %arg4[%add3A_560, %dma_wait3A_567, %dma_wait3A_568] : memref<4096x200x32xf32, #tpu.memory_space<hbm>> -> memref<1x200x32xf32, #tpu.memory_space<hbm>>
      %dma_wait3A_570 = tpu.memref_squeeze %dma_wait3A_569 : memref<1x200x32xf32, #tpu.memory_space<hbm>> -> memref<200x32xf32, #tpu.memory_space<hbm>>
      %dma_wait3A_571 = tpu.memref_slice %arg8[%dma_wait3A_562] : memref<8x!tpu.dma_semaphore, #tpu.memory_space<semaphore_mem>> -> memref<1x!tpu.dma_semaphore, #tpu.memory_space<semaphore_mem>>
      %dma_wait3A_572 = tpu.memref_squeeze %dma_wait3A_571 : memref<1x!tpu.dma_semaphore, #tpu.memory_space<semaphore_mem>> -> memref<!tpu.dma_semaphore, #tpu.memory_space<semaphore_mem>>
      %dma_wait3A_573 = arith.constant 0 : i32
      %dma_wait3A_574 = arith.constant 0 : i32
      %dma_wait3A_575 = tpu.memref_slice %arg4[%add3A_560, %dma_wait3A_573, %dma_wait3A_574] : memref<4096x200x32xf32, #tpu.memory_space<hbm>> -> memref<1x200x32xf32, #tpu.memory_space<hbm>>
      %dma_wait3A_576 = tpu.memref_squeeze %dma_wait3A_575 : memref<1x200x32xf32, #tpu.memory_space<hbm>> -> memref<200x32xf32, #tpu.memory_space<hbm>>
      %dma_wait3A_577 = arith.constant 0 : i32
      %dma_wait3A_578 = arith.constant 0 : i32
      %dma_wait3A_579 = tpu.memref_slice %arg6[%dma_wait3A_561, %dma_wait3A_577, %dma_wait3A_578] : memref<8x200x32xf32, #tpu.memory_space<vmem>> -> memref<1x200x32xf32, #tpu.memory_space<vmem>>
      %dma_wait3A_580 = tpu.memref_squeeze %dma_wait3A_579 : memref<1x200x32xf32, #tpu.memory_space<vmem>> -> memref<200x32xf32, #tpu.memory_space<vmem>>
      tpu.wait_dma2 semaphore(%dma_wait3A_572 : memref<!tpu.dma_semaphore, #tpu.memory_space<semaphore_mem>>) src(%dma_wait3A_580 : memref<200x32xf32, #tpu.memory_space<vmem>>) dst(%dma_wait3A_576 : memref<200x32xf32, #tpu.memory_space<hbm>>)
      %add3A_581 = arith.constant 1 : i32
      %add3A_582 = arith.addi %scan3A_127, %add3A_581 : i32
      %lt3A_583 = arith.constant 16 : i32
      %lt3A_584 = arith.cmpi slt, %add3A_582, %lt3A_583 : i32
      %convert_element_type3A_585 = arith.extui %lt3A_584 : i1 to i32
      %cond3A_586 = arith.constant 0 : i32
      %cond3A_587 = arith.cmpi ne, %convert_element_type3A_585, %cond3A_586 : i32
      scf.if %cond3A_587 {
        %add3A_678 = arith.constant 8 : i32
        %add3A_679 = arith.addi %mul3A_129, %add3A_678 : i32
        %add3A_680 = arith.constant 4 : i32
        %add3A_681 = arith.addi %add3A_679, %add3A_680 : i32
        %dma_start3A_682 = arith.constant 4 : i32
        %dma_start3A_683 = arith.constant 4 : i32
        %dma_start3A_684 = arith.constant 0 : i32
        %dma_start3A_685 = arith.constant 0 : i32
        %dma_start3A_686 = tpu.memref_slice %arg6[%dma_start3A_682, %dma_start3A_684, %dma_start3A_685] : memref<8x200x32xf32, #tpu.memory_space<vmem>> -> memref<1x200x32xf32, #tpu.memory_space<vmem>>
        %dma_start3A_687 = tpu.memref_squeeze %dma_start3A_686 : memref<1x200x32xf32, #tpu.memory_space<vmem>> -> memref<200x32xf32, #tpu.memory_space<vmem>>
        %dma_start3A_688 = arith.constant 0 : i32
        %dma_start3A_689 = tpu.memref_slice %arg5[%add3A_681, %dma_start3A_688] : memref<128x200xi32, #tpu.memory_space<vmem>> -> memref<1x200xi32, #tpu.memory_space<vmem>>
        %dma_start3A_690 = tpu.memref_squeeze %dma_start3A_689 : memref<1x200xi32, #tpu.memory_space<vmem>> -> memref<200xi32, #tpu.memory_space<vmem>>
        %dma_start3A_691 = arith.constant 0 : i32
        %dma_start3A_692 = arith.constant 0 : i32
        %dma_start3A_693 = tpu.memref_slice %arg3[%dma_start3A_691, %dma_start3A_692] : memref<1000000x32xf32, #tpu.memory_space<hbm>> -> memref<1000000x32xf32, #tpu.memory_space<hbm>>
        %dma_start3A_694 = tpu.memref_slice %arg7[%dma_start3A_683] : memref<8x!tpu.dma_semaphore, #tpu.memory_space<semaphore_mem>> -> memref<1x!tpu.dma_semaphore, #tpu.memory_space<semaphore_mem>>
        %dma_start3A_695 = tpu.memref_squeeze %dma_start3A_694 : memref<1x!tpu.dma_semaphore, #tpu.memory_space<semaphore_mem>> -> memref<!tpu.dma_semaphore, #tpu.memory_space<semaphore_mem>>
        tpu.enqueue_indirect_dma source(%dma_start3A_693 : memref<1000000x32xf32, #tpu.memory_space<hbm>>) target(%dma_start3A_687 : memref<200x32xf32, #tpu.memory_space<vmem>>) offsets(%dma_start3A_690 : memref<200xi32, #tpu.memory_space<vmem>>) semaphore(%dma_start3A_695 : memref<!tpu.dma_semaphore, #tpu.memory_space<semaphore_mem>>)
      } else {
      }
      %add3A_588 = arith.addi %mul3A_2, %mul3A_129 : i32
      %add3A_589 = arith.constant 5 : i32
      %add3A_590 = arith.addi %add3A_588, %add3A_589 : i32
      %dma_wait3A_591 = arith.constant 5 : i32
      %dma_wait3A_592 = arith.constant 5 : i32
      %dma_wait3A_593 = arith.constant 0 : i32
      %dma_wait3A_594 = arith.constant 0 : i32
      %dma_wait3A_595 = tpu.memref_slice %arg6[%dma_wait3A_591, %dma_wait3A_593, %dma_wait3A_594] : memref<8x200x32xf32, #tpu.memory_space<vmem>> -> memref<1x200x32xf32, #tpu.memory_space<vmem>>
      %dma_wait3A_596 = tpu.memref_squeeze %dma_wait3A_595 : memref<1x200x32xf32, #tpu.memory_space<vmem>> -> memref<200x32xf32, #tpu.memory_space<vmem>>
      %dma_wait3A_597 = arith.constant 0 : i32
      %dma_wait3A_598 = arith.constant 0 : i32
      %dma_wait3A_599 = tpu.memref_slice %arg4[%add3A_590, %dma_wait3A_597, %dma_wait3A_598] : memref<4096x200x32xf32, #tpu.memory_space<hbm>> -> memref<1x200x32xf32, #tpu.memory_space<hbm>>
      %dma_wait3A_600 = tpu.memref_squeeze %dma_wait3A_599 : memref<1x200x32xf32, #tpu.memory_space<hbm>> -> memref<200x32xf32, #tpu.memory_space<hbm>>
      %dma_wait3A_601 = tpu.memref_slice %arg8[%dma_wait3A_592] : memref<8x!tpu.dma_semaphore, #tpu.memory_space<semaphore_mem>> -> memref<1x!tpu.dma_semaphore, #tpu.memory_space<semaphore_mem>>
      %dma_wait3A_602 = tpu.memref_squeeze %dma_wait3A_601 : memref<1x!tpu.dma_semaphore, #tpu.memory_space<semaphore_mem>> -> memref<!tpu.dma_semaphore, #tpu.memory_space<semaphore_mem>>
      %dma_wait3A_603 = arith.constant 0 : i32
      %dma_wait3A_604 = arith.constant 0 : i32
      %dma_wait3A_605 = tpu.memref_slice %arg4[%add3A_590, %dma_wait3A_603, %dma_wait3A_604] : memref<4096x200x32xf32, #tpu.memory_space<hbm>> -> memref<1x200x32xf32, #tpu.memory_space<hbm>>
      %dma_wait3A_606 = tpu.memref_squeeze %dma_wait3A_605 : memref<1x200x32xf32, #tpu.memory_space<hbm>> -> memref<200x32xf32, #tpu.memory_space<hbm>>
      %dma_wait3A_607 = arith.constant 0 : i32
      %dma_wait3A_608 = arith.constant 0 : i32
      %dma_wait3A_609 = tpu.memref_slice %arg6[%dma_wait3A_591, %dma_wait3A_607, %dma_wait3A_608] : memref<8x200x32xf32, #tpu.memory_space<vmem>> -> memref<1x200x32xf32, #tpu.memory_space<vmem>>
      %dma_wait3A_610 = tpu.memref_squeeze %dma_wait3A_609 : memref<1x200x32xf32, #tpu.memory_space<vmem>> -> memref<200x32xf32, #tpu.memory_space<vmem>>
      tpu.wait_dma2 semaphore(%dma_wait3A_602 : memref<!tpu.dma_semaphore, #tpu.memory_space<semaphore_mem>>) src(%dma_wait3A_610 : memref<200x32xf32, #tpu.memory_space<vmem>>) dst(%dma_wait3A_606 : memref<200x32xf32, #tpu.memory_space<hbm>>)
      %add3A_611 = arith.constant 1 : i32
      %add3A_612 = arith.addi %scan3A_127, %add3A_611 : i32
      %lt3A_613 = arith.constant 16 : i32
      %lt3A_614 = arith.cmpi slt, %add3A_612, %lt3A_613 : i32
      %convert_element_type3A_615 = arith.extui %lt3A_614 : i1 to i32
      %cond3A_616 = arith.constant 0 : i32
      %cond3A_617 = arith.cmpi ne, %convert_element_type3A_615, %cond3A_616 : i32
      scf.if %cond3A_617 {
        %add3A_678 = arith.constant 8 : i32
        %add3A_679 = arith.addi %mul3A_129, %add3A_678 : i32
        %add3A_680 = arith.constant 5 : i32
        %add3A_681 = arith.addi %add3A_679, %add3A_680 : i32
        %dma_start3A_682 = arith.constant 5 : i32
        %dma_start3A_683 = arith.constant 5 : i32
        %dma_start3A_684 = arith.constant 0 : i32
        %dma_start3A_685 = arith.constant 0 : i32
        %dma_start3A_686 = tpu.memref_slice %arg6[%dma_start3A_682, %dma_start3A_684, %dma_start3A_685] : memref<8x200x32xf32, #tpu.memory_space<vmem>> -> memref<1x200x32xf32, #tpu.memory_space<vmem>>
        %dma_start3A_687 = tpu.memref_squeeze %dma_start3A_686 : memref<1x200x32xf32, #tpu.memory_space<vmem>> -> memref<200x32xf32, #tpu.memory_space<vmem>>
        %dma_start3A_688 = arith.constant 0 : i32
        %dma_start3A_689 = tpu.memref_slice %arg5[%add3A_681, %dma_start3A_688] : memref<128x200xi32, #tpu.memory_space<vmem>> -> memref<1x200xi32, #tpu.memory_space<vmem>>
        %dma_start3A_690 = tpu.memref_squeeze %dma_start3A_689 : memref<1x200xi32, #tpu.memory_space<vmem>> -> memref<200xi32, #tpu.memory_space<vmem>>
        %dma_start3A_691 = arith.constant 0 : i32
        %dma_start3A_692 = arith.constant 0 : i32
        %dma_start3A_693 = tpu.memref_slice %arg3[%dma_start3A_691, %dma_start3A_692] : memref<1000000x32xf32, #tpu.memory_space<hbm>> -> memref<1000000x32xf32, #tpu.memory_space<hbm>>
        %dma_start3A_694 = tpu.memref_slice %arg7[%dma_start3A_683] : memref<8x!tpu.dma_semaphore, #tpu.memory_space<semaphore_mem>> -> memref<1x!tpu.dma_semaphore, #tpu.memory_space<semaphore_mem>>
        %dma_start3A_695 = tpu.memref_squeeze %dma_start3A_694 : memref<1x!tpu.dma_semaphore, #tpu.memory_space<semaphore_mem>> -> memref<!tpu.dma_semaphore, #tpu.memory_space<semaphore_mem>>
        tpu.enqueue_indirect_dma source(%dma_start3A_693 : memref<1000000x32xf32, #tpu.memory_space<hbm>>) target(%dma_start3A_687 : memref<200x32xf32, #tpu.memory_space<vmem>>) offsets(%dma_start3A_690 : memref<200xi32, #tpu.memory_space<vmem>>) semaphore(%dma_start3A_695 : memref<!tpu.dma_semaphore, #tpu.memory_space<semaphore_mem>>)
      } else {
      }
      %add3A_618 = arith.addi %mul3A_2, %mul3A_129 : i32
      %add3A_619 = arith.constant 6 : i32
      %add3A_620 = arith.addi %add3A_618, %add3A_619 : i32
      %dma_wait3A_621 = arith.constant 6 : i32
      %dma_wait3A_622 = arith.constant 6 : i32
      %dma_wait3A_623 = arith.constant 0 : i32
      %dma_wait3A_624 = arith.constant 0 : i32
      %dma_wait3A_625 = tpu.memref_slice %arg6[%dma_wait3A_621, %dma_wait3A_623, %dma_wait3A_624] : memref<8x200x32xf32, #tpu.memory_space<vmem>> -> memref<1x200x32xf32, #tpu.memory_space<vmem>>
      %dma_wait3A_626 = tpu.memref_squeeze %dma_wait3A_625 : memref<1x200x32xf32, #tpu.memory_space<vmem>> -> memref<200x32xf32, #tpu.memory_space<vmem>>
      %dma_wait3A_627 = arith.constant 0 : i32
      %dma_wait3A_628 = arith.constant 0 : i32
      %dma_wait3A_629 = tpu.memref_slice %arg4[%add3A_620, %dma_wait3A_627, %dma_wait3A_628] : memref<4096x200x32xf32, #tpu.memory_space<hbm>> -> memref<1x200x32xf32, #tpu.memory_space<hbm>>
      %dma_wait3A_630 = tpu.memref_squeeze %dma_wait3A_629 : memref<1x200x32xf32, #tpu.memory_space<hbm>> -> memref<200x32xf32, #tpu.memory_space<hbm>>
      %dma_wait3A_631 = tpu.memref_slice %arg8[%dma_wait3A_622] : memref<8x!tpu.dma_semaphore, #tpu.memory_space<semaphore_mem>> -> memref<1x!tpu.dma_semaphore, #tpu.memory_space<semaphore_mem>>
      %dma_wait3A_632 = tpu.memref_squeeze %dma_wait3A_631 : memref<1x!tpu.dma_semaphore, #tpu.memory_space<semaphore_mem>> -> memref<!tpu.dma_semaphore, #tpu.memory_space<semaphore_mem>>
      %dma_wait3A_633 = arith.constant 0 : i32
      %dma_wait3A_634 = arith.constant 0 : i32
      %dma_wait3A_635 = tpu.memref_slice %arg4[%add3A_620, %dma_wait3A_633, %dma_wait3A_634] : memref<4096x200x32xf32, #tpu.memory_space<hbm>> -> memref<1x200x32xf32, #tpu.memory_space<hbm>>
      %dma_wait3A_636 = tpu.memref_squeeze %dma_wait3A_635 : memref<1x200x32xf32, #tpu.memory_space<hbm>> -> memref<200x32xf32, #tpu.memory_space<hbm>>
      %dma_wait3A_637 = arith.constant 0 : i32
      %dma_wait3A_638 = arith.constant 0 : i32
      %dma_wait3A_639 = tpu.memref_slice %arg6[%dma_wait3A_621, %dma_wait3A_637, %dma_wait3A_638] : memref<8x200x32xf32, #tpu.memory_space<vmem>> -> memref<1x200x32xf32, #tpu.memory_space<vmem>>
      %dma_wait3A_640 = tpu.memref_squeeze %dma_wait3A_639 : memref<1x200x32xf32, #tpu.memory_space<vmem>> -> memref<200x32xf32, #tpu.memory_space<vmem>>
      tpu.wait_dma2 semaphore(%dma_wait3A_632 : memref<!tpu.dma_semaphore, #tpu.memory_space<semaphore_mem>>) src(%dma_wait3A_640 : memref<200x32xf32, #tpu.memory_space<vmem>>) dst(%dma_wait3A_636 : memref<200x32xf32, #tpu.memory_space<hbm>>)
      %add3A_641 = arith.constant 1 : i32
      %add3A_642 = arith.addi %scan3A_127, %add3A_641 : i32
      %lt3A_643 = arith.constant 16 : i32
      %lt3A_644 = arith.cmpi slt, %add3A_642, %lt3A_643 : i32
      %convert_element_type3A_645 = arith.extui %lt3A_644 : i1 to i32
      %cond3A_646 = arith.constant 0 : i32
      %cond3A_647 = arith.cmpi ne, %convert_element_type3A_645, %cond3A_646 : i32
      scf.if %cond3A_647 {
        %add3A_678 = arith.constant 8 : i32
        %add3A_679 = arith.addi %mul3A_129, %add3A_678 : i32
        %add3A_680 = arith.constant 6 : i32
        %add3A_681 = arith.addi %add3A_679, %add3A_680 : i32
        %dma_start3A_682 = arith.constant 6 : i32
        %dma_start3A_683 = arith.constant 6 : i32
        %dma_start3A_684 = arith.constant 0 : i32
        %dma_start3A_685 = arith.constant 0 : i32
        %dma_start3A_686 = tpu.memref_slice %arg6[%dma_start3A_682, %dma_start3A_684, %dma_start3A_685] : memref<8x200x32xf32, #tpu.memory_space<vmem>> -> memref<1x200x32xf32, #tpu.memory_space<vmem>>
        %dma_start3A_687 = tpu.memref_squeeze %dma_start3A_686 : memref<1x200x32xf32, #tpu.memory_space<vmem>> -> memref<200x32xf32, #tpu.memory_space<vmem>>
        %dma_start3A_688 = arith.constant 0 : i32
        %dma_start3A_689 = tpu.memref_slice %arg5[%add3A_681, %dma_start3A_688] : memref<128x200xi32, #tpu.memory_space<vmem>> -> memref<1x200xi32, #tpu.memory_space<vmem>>
        %dma_start3A_690 = tpu.memref_squeeze %dma_start3A_689 : memref<1x200xi32, #tpu.memory_space<vmem>> -> memref<200xi32, #tpu.memory_space<vmem>>
        %dma_start3A_691 = arith.constant 0 : i32
        %dma_start3A_692 = arith.constant 0 : i32
        %dma_start3A_693 = tpu.memref_slice %arg3[%dma_start3A_691, %dma_start3A_692] : memref<1000000x32xf32, #tpu.memory_space<hbm>> -> memref<1000000x32xf32, #tpu.memory_space<hbm>>
        %dma_start3A_694 = tpu.memref_slice %arg7[%dma_start3A_683] : memref<8x!tpu.dma_semaphore, #tpu.memory_space<semaphore_mem>> -> memref<1x!tpu.dma_semaphore, #tpu.memory_space<semaphore_mem>>
        %dma_start3A_695 = tpu.memref_squeeze %dma_start3A_694 : memref<1x!tpu.dma_semaphore, #tpu.memory_space<semaphore_mem>> -> memref<!tpu.dma_semaphore, #tpu.memory_space<semaphore_mem>>
        tpu.enqueue_indirect_dma source(%dma_start3A_693 : memref<1000000x32xf32, #tpu.memory_space<hbm>>) target(%dma_start3A_687 : memref<200x32xf32, #tpu.memory_space<vmem>>) offsets(%dma_start3A_690 : memref<200xi32, #tpu.memory_space<vmem>>) semaphore(%dma_start3A_695 : memref<!tpu.dma_semaphore, #tpu.memory_space<semaphore_mem>>)
      } else {
      }
      %add3A_648 = arith.addi %mul3A_2, %mul3A_129 : i32
      %add3A_649 = arith.constant 7 : i32
      %add3A_650 = arith.addi %add3A_648, %add3A_649 : i32
      %dma_wait3A_651 = arith.constant 7 : i32
      %dma_wait3A_652 = arith.constant 7 : i32
      %dma_wait3A_653 = arith.constant 0 : i32
      %dma_wait3A_654 = arith.constant 0 : i32
      %dma_wait3A_655 = tpu.memref_slice %arg6[%dma_wait3A_651, %dma_wait3A_653, %dma_wait3A_654] : memref<8x200x32xf32, #tpu.memory_space<vmem>> -> memref<1x200x32xf32, #tpu.memory_space<vmem>>
      %dma_wait3A_656 = tpu.memref_squeeze %dma_wait3A_655 : memref<1x200x32xf32, #tpu.memory_space<vmem>> -> memref<200x32xf32, #tpu.memory_space<vmem>>
      %dma_wait3A_657 = arith.constant 0 : i32
      %dma_wait3A_658 = arith.constant 0 : i32
      %dma_wait3A_659 = tpu.memref_slice %arg4[%add3A_650, %dma_wait3A_657, %dma_wait3A_658] : memref<4096x200x32xf32, #tpu.memory_space<hbm>> -> memref<1x200x32xf32, #tpu.memory_space<hbm>>
      %dma_wait3A_660 = tpu.memref_squeeze %dma_wait3A_659 : memref<1x200x32xf32, #tpu.memory_space<hbm>> -> memref<200x32xf32, #tpu.memory_space<hbm>>
      %dma_wait3A_661 = tpu.memref_slice %arg8[%dma_wait3A_652] : memref<8x!tpu.dma_semaphore, #tpu.memory_space<semaphore_mem>> -> memref<1x!tpu.dma_semaphore, #tpu.memory_space<semaphore_mem>>
      %dma_wait3A_662 = tpu.memref_squeeze %dma_wait3A_661 : memref<1x!tpu.dma_semaphore, #tpu.memory_space<semaphore_mem>> -> memref<!tpu.dma_semaphore, #tpu.memory_space<semaphore_mem>>
      %dma_wait3A_663 = arith.constant 0 : i32
      %dma_wait3A_664 = arith.constant 0 : i32
      %dma_wait3A_665 = tpu.memref_slice %arg4[%add3A_650, %dma_wait3A_663, %dma_wait3A_664] : memref<4096x200x32xf32, #tpu.memory_space<hbm>> -> memref<1x200x32xf32, #tpu.memory_space<hbm>>
      %dma_wait3A_666 = tpu.memref_squeeze %dma_wait3A_665 : memref<1x200x32xf32, #tpu.memory_space<hbm>> -> memref<200x32xf32, #tpu.memory_space<hbm>>
      %dma_wait3A_667 = arith.constant 0 : i32
      %dma_wait3A_668 = arith.constant 0 : i32
      %dma_wait3A_669 = tpu.memref_slice %arg6[%dma_wait3A_651, %dma_wait3A_667, %dma_wait3A_668] : memref<8x200x32xf32, #tpu.memory_space<vmem>> -> memref<1x200x32xf32, #tpu.memory_space<vmem>>
      %dma_wait3A_670 = tpu.memref_squeeze %dma_wait3A_669 : memref<1x200x32xf32, #tpu.memory_space<vmem>> -> memref<200x32xf32, #tpu.memory_space<vmem>>
      tpu.wait_dma2 semaphore(%dma_wait3A_662 : memref<!tpu.dma_semaphore, #tpu.memory_space<semaphore_mem>>) src(%dma_wait3A_670 : memref<200x32xf32, #tpu.memory_space<vmem>>) dst(%dma_wait3A_666 : memref<200x32xf32, #tpu.memory_space<hbm>>)
      %add3A_671 = arith.constant 1 : i32
      %add3A_672 = arith.addi %scan3A_127, %add3A_671 : i32
      %lt3A_673 = arith.constant 16 : i32
      %lt3A_674 = arith.cmpi slt, %add3A_672, %lt3A_673 : i32
      %convert_element_type3A_675 = arith.extui %lt3A_674 : i1 to i32
      %cond3A_676 = arith.constant 0 : i32
      %cond3A_677 = arith.cmpi ne, %convert_element_type3A_675, %cond3A_676 : i32
      scf.if %cond3A_677 {
        %add3A_678 = arith.constant 8 : i32
        %add3A_679 = arith.addi %mul3A_129, %add3A_678 : i32
        %add3A_680 = arith.constant 7 : i32
        %add3A_681 = arith.addi %add3A_679, %add3A_680 : i32
        %dma_start3A_682 = arith.constant 7 : i32
        %dma_start3A_683 = arith.constant 7 : i32
        %dma_start3A_684 = arith.constant 0 : i32
        %dma_start3A_685 = arith.constant 0 : i32
        %dma_start3A_686 = tpu.memref_slice %arg6[%dma_start3A_682, %dma_start3A_684, %dma_start3A_685] : memref<8x200x32xf32, #tpu.memory_space<vmem>> -> memref<1x200x32xf32, #tpu.memory_space<vmem>>
        %dma_start3A_687 = tpu.memref_squeeze %dma_start3A_686 : memref<1x200x32xf32, #tpu.memory_space<vmem>> -> memref<200x32xf32, #tpu.memory_space<vmem>>
        %dma_start3A_688 = arith.constant 0 : i32
        %dma_start3A_689 = tpu.memref_slice %arg5[%add3A_681, %dma_start3A_688] : memref<128x200xi32, #tpu.memory_space<vmem>> -> memref<1x200xi32, #tpu.memory_space<vmem>>
        %dma_start3A_690 = tpu.memref_squeeze %dma_start3A_689 : memref<1x200xi32, #tpu.memory_space<vmem>> -> memref<200xi32, #tpu.memory_space<vmem>>
        %dma_start3A_691 = arith.constant 0 : i32
        %dma_start3A_692 = arith.constant 0 : i32
        %dma_start3A_693 = tpu.memref_slice %arg3[%dma_start3A_691, %dma_start3A_692] : memref<1000000x32xf32, #tpu.memory_space<hbm>> -> memref<1000000x32xf32, #tpu.memory_space<hbm>>
        %dma_start3A_694 = tpu.memref_slice %arg7[%dma_start3A_683] : memref<8x!tpu.dma_semaphore, #tpu.memory_space<semaphore_mem>> -> memref<1x!tpu.dma_semaphore, #tpu.memory_space<semaphore_mem>>
        %dma_start3A_695 = tpu.memref_squeeze %dma_start3A_694 : memref<1x!tpu.dma_semaphore, #tpu.memory_space<semaphore_mem>> -> memref<!tpu.dma_semaphore, #tpu.memory_space<semaphore_mem>>
        tpu.enqueue_indirect_dma source(%dma_start3A_693 : memref<1000000x32xf32, #tpu.memory_space<hbm>>) target(%dma_start3A_687 : memref<200x32xf32, #tpu.memory_space<vmem>>) offsets(%dma_start3A_690 : memref<200xi32, #tpu.memory_space<vmem>>) semaphore(%dma_start3A_695 : memref<!tpu.dma_semaphore, #tpu.memory_space<semaphore_mem>>)
      } else {
      }
    }
    %scan3A_126 = arith.constant 16 : i32
    return
  }
}

</mosaic_0001>

<sc_bundles>
// kernel: kernel.3.cloned.1.call-start
scs
__scs_entry_jumppad:
0x0: {  	(pc) =	sbr.rel $0x88, $3  }
0x1: {  	(tag) =	ssettag $0x0;
	lr =	simm.s32 $0x1  }
0x2: {  	[smem:$0x3F9F] =	sst lr;
	_ =	strace $0xD0000000  }
0x3: {  	_ = 	snop  }
0x4: {  	_ = 	snop  }
0x5: {  	_ = 	snop  }
0x6: {  	_ = 	snop  }
0x7: {  	_ = 	snop  }
__scs_overlays_trampoline_lowered:
0x8: {  	[smem:$0x3FAE] =	sst s0  }
0x9: {  	[smem:$0x3FAF] =	sst s1  }
0xa: {  	[smem:$0x3FB0] =	sst s2  }
0xb: {  	[smem:$0x3FB1] =	sst s3  }
0xc: {  	[smem:$0x3FB2] =	sst s4  }
0xd: {  	[smem:$0x3FB3] =	sst s5  }
0xe: {  	[smem:$0x3FB4] =	sst s6  }
0xf: {  	[smem:$0x3FB5] =	sst s7  }
0x10: {  	[smem:$0x3FB6] =	sst s8  }
0x11: {  	[smem:$0x3FB7] =	sst s9;
	s0 =	simm.s32 @!p0 $0x0  }
0x12: {  	s1 =	sld [smem:$0x3F9D];
	s0 =	simm.s32 @p0 $0x1  }
0x13: {  	[smem:$0x3FB8] =	sst s0;
	s0 =	simm.s32 @!p1 $0x0  }
0x14: {  	s2 =	sld [smem:$0x3F9C];
	s0 =	simm.s32 @p1 $0x1  }
0x15: {  	[smem:$0x3FB9] =	sst s0;
	s0 =	simm.s32 @!p2 $0x0  }
0x16: {  	s3 =	sld [smem:$0x3FDB];
	s0 =	simm.s32 @p2 $0x1  }
0x17: {  	s4 =	simm.s32 $0x1BF5;
	[smem:$0x3FBB] =	sst s0  }
0x18: {  	s0 =	sld [smem:$0x3F9E];
	_ =	swait.ge [sflag:s4], $0x0  }
0x19: {  	s7 =	sld [smem:$0x3F9F]  }
0x1a: {  	s8 =	sadd.s32 $0xFFFFE003, lr  }
0x1b: {  	s9 =	sadd.s32 $0xFFFFFEF7, lr;
	s5 =	simm.s32 $0xFFFFFFFF;
	p2 =	slt.u32 s8, $0xFFFFF086  }
0x1c: {  	p1 =	slt.u32 s9, $0xF7A;
	s5 =	simm.s32 @!p2 $0x0  }
0x1d: {  	s5 =	simm.s32 @p1 $0x1;
	p0 =	seq.s32 s7, s2  }
0x1e: {  	s7 =	smul.u32 @!p0 $0xF7A, s2;
	p2 =	seq.s32 @!p0 s5, $0x0  }
0x1f: {  	s9 =	smul.u32 $0xF7A, s1;
	s8 =	simm.s32 @!p0 $0x1BF5;
	p2 =	por !p2, p0  }
0x20: {  	[sflag:s8] =	ssyncset.s32 @!p0 $0xFFFFF086;
	s6 =	sadd.s32 @!p0 s3, s7;
	s7 =	simm.s32 @!p0 $0x108  }
0x21: {  	s3 =	sadd.s32 s3, s9;
	s6 =	sadd.s32 @!p0 $0x88, s6;
	s7 =	simm.s32 @p2 $0x1082  }
0x22: {  	[simem:s7], [sflag:s8] =	dma.local @!p0 [hbm:s6], $0xF7A  }
0x23: {  	s9 =	sor.u32 $0xD0000000, s2;
	s6 =	simm.s32 $0x108;
	_ =	swait.ge @!p0 [sflag:s8], $0x0  }
0x24: {  	s3 =	sadd.s32 $0x88, s3;
	s6 =	simm.s32 @!p1 $0x1082;
	[sflag:s4] =	ssyncset.s32 $0xFFFFF086  }
0x25: {  	[simem:s6], [sflag:s4] =	dma.local [hbm:s3], $0xF7A  }
0x26: {  	[smem:$0x3F9F] =	sst s1;
	(tag) =	ssettag s2;
	_ =	strace s9  }
0x27: {  	s1 =	sld [smem:$0x3FAF]  }
0x28: {  	s2 =	sld [smem:$0x3FB0]  }
0x29: {  	s4 =	sld [smem:$0x3FB2]  }
0x2a: {  	p0 =	seq.s32 s5, $0x0;
	s5 =	sld [smem:$0x3FB3]  }
0x2b: {  	s6 =	sld [smem:$0x3FB4]  }
0x2c: {  	s7 =	sld [smem:$0x3FB5]  }
0x2d: {  	s3 =	simm.s32 $0x108;
	s8 =	sld [smem:$0x3FB6]  }
0x2e: {  	s3 =	simm.s32 @!p0 $0x1082;
	s9 =	sld [smem:$0x3FB7]  }
0x2f: {  	lr =	sadd.s32 s0, s3;
	s0 =	sld [smem:$0x3FAE]  }
0x30: {  	s3 =	sld [smem:$0x3FB1]  }
0x31: {  	[smem:$0x3FBA] =	sst s10  }
0x32: {  	s10 =	sld [smem:$0x3FB8];
	_ =	sdelay $0x3  }
0x33: {  	p0 =	seq.s32 s10, $0x1;
	s10 =	sld [smem:$0x3FBA];
	_ =	sdelay $0x3  }
0x34: {  	[smem:$0x3FBA] =	sst s10  }
0x35: {  	s10 =	sld [smem:$0x3FB9];
	_ =	sdelay $0x3  }
0x36: {  	p1 =	seq.s32 s10, $0x1;
	s10 =	sld [smem:$0x3FBA];
	_ =	sdelay $0x3  }
0x37: {  	[smem:$0x3FBA] =	sst s10  }
0x38: {  	s10 =	sld [smem:$0x3FBB]  }
0x39: {  	_ = 	snop;
	(pc) =	sbr.ind lr, $3  }
0x3a: {  	_ = 	snop  }
0x3b: {  	_ = 	snop  }
0x3c: {  	p2 =	seq.s32 s10, $0x1;
	s10 =	sld [smem:$0x3FBA]  }
0x3d: {  	_ =	shalt  }
0x3e: {  	_ =	shalt  }
0x3f: {  	_ =	shalt  }
0x40: {  	_ =	shalt  }
0x41: {  	_ =	shalt  }
0x42: {  	_ =	shalt  }
0x43: {  	_ =	shalt  }
0x44: {  	_ =	shalt  }
0x45: {  	_ =	shalt  }
0x46: {  	_ =	shalt  }
0x47: {  	_ =	shalt  }
0x48: {  	_ =	shalt  }
0x49: {  	_ =	shalt  }
0x4a: {  	_ =	shalt  }
0x4b: {  	_ =	shalt  }
0x4c: {  	_ =	shalt  }
0x4d: {  	_ =	shalt  }
0x4e: {  	_ =	shalt  }
0x4f: {  	_ =	shalt  }
0x50: {  	_ =	shalt  }
0x51: {  	_ =	shalt  }
0x52: {  	_ =	shalt  }
0x53: {  	_ =	shalt  }
0x54: {  	_ =	shalt  }
0x55: {  	_ =	shalt  }
0x56: {  	_ =	shalt  }
0x57: {  	_ =	shalt  }
0x58: {  	_ =	shalt  }
0x59: {  	_ =	shalt  }
0x5a: {  	_ =	shalt  }
0x5b: {  	_ =	shalt  }
0x5c: {  	_ =	shalt  }
0x5d: {  	_ =	shalt  }
0x5e: {  	_ =	shalt  }
0x5f: {  	_ =	shalt  }
0x60: {  	_ =	shalt  }
0x61: {  	_ =	shalt  }
0x62: {  	_ =	shalt  }
0x63: {  	_ =	shalt  }
0x64: {  	_ =	shalt  }
0x65: {  	_ =	shalt  }
0x66: {  	_ =	shalt  }
0x67: {  	_ =	shalt  }
0x68: {  	_ =	shalt  }
0x69: {  	_ =	shalt  }
0x6a: {  	_ =	shalt  }
0x6b: {  	_ =	shalt  }
0x6c: {  	_ =	shalt  }
0x6d: {  	_ =	shalt  }
0x6e: {  	_ =	shalt  }
0x6f: {  	_ =	shalt  }
0x70: {  	_ =	shalt  }
0x71: {  	_ =	shalt  }
0x72: {  	_ =	shalt  }
0x73: {  	_ =	shalt  }
0x74: {  	_ =	shalt  }
0x75: {  	_ =	shalt  }
0x76: {  	_ =	shalt  }
0x77: {  	_ =	shalt  }
0x78: {  	_ =	shalt  }
0x79: {  	_ =	shalt  }
0x7a: {  	_ =	shalt  }
0x7b: {  	_ =	shalt  }
0x7c: {  	_ =	shalt  }
0x7d: {  	_ =	shalt  }
0x7e: {  	_ =	shalt  }
0x7f: {  	_ =	shalt  }
0x80: {  	_ =	shalt  }
0x81: {  	_ =	shalt  }
0x82: {  	_ =	shalt  }
0x83: {  	_ =	shalt  }
0x84: {  	_ =	shalt  }
0x85: {  	_ =	shalt  }
0x86: {  	_ =	shalt  }
0x87: {  	_ =	shalt  }
.Lfunc_end0:
.L_simem_size_0:
called_computation.1_lowered:
.L_overlay_start_0:
0x88: {  	s2 =	sld [smem:$0x3FD9]  }
0x89: {  	s3 =	sld [smem:$0x3FFE];
	_ =	sdelay $0x1  }
0x8a: {  	s1 =	srdreg.scid  }
0x8b: {  	s0 =	sand.u32 $0x1, s1  }
0x8c: {  	s17 =	sshll.u32 s0, $0xA;
	s2 =	sadd.s32 s3, s2  }
0x8d: {  	s2 =	sadd.s32 s2, s17  }
0x8e: {  	[smem:$0x3FC6] =	sst s2  }
0x8f: {  	_ = 	snop  }
0x90: {  	s2 =	sld [smem:$0x3FD0];
	(tm) =	ssettm $0x1  }
0x91: {  	s18 =	sld [smem:$0x3FFB];
	_ =	sdelay $0x3  }
0x92: {  	_ =	strace s18  }
0x93: {  	s3 =	sld [smem:$0x3FFC];
	_ =	sdelay $0x3  }
0x94: {  	_ =	strace s3  }
0x95: {  	s3 =	sld [smem:$0x3FFD];
	_ =	sdelay $0x3  }
0x96: {  	_ =	strace s3  }
0x97: {  	_ =	strace $0x8FFFFFFF  }
0x98: {  	s19 =	sld [smem:$0x3FDB];
	_ =	sdelay $0x1  }
0x99: {  	s4 =	simm.s32 $_scs_section_size  }
0x9a: {  	s5 =	simm.s32 $_size__tile_overlayer_lowered;
	s6 =	simm.s32 $_tile_overlayer_lowered  }
0x9b: {  	s22 =	simm.s32 $0x1BFF;
	s21 =	sshll.u32 s6, $0x1;
	s3 =	sadd.s32 s4, s19  }
0x9c: {  	s7 =	simm.s32 $0x0;
	s20 =	sshll.u32 s5, $0x1;
	s5 =	sadd.s32 s21, s3  }
0x9d: {  	[timem:s7], [sflag:s22] =	dma.local [hbm:s5], s20  }
0x9e: {  	_ =	swait.ge [sflag:s22], s20  }
0x9f: {  	s4 =	ssub.s32 $0x0, s20;
	[sflag:s22] =	ssyncset.done $0x0  }
0xa0: {  	[sflag:s22] =	ssyncadd.s32 s4;
	_ =	sdelay $0x1  }
0xa1: {  	s23 =	simm.s32 $0x1B8B  }
0xa2: {  	_ =	swait.ge [sflag:s23], $0x1  }
0xa3: {  	[sflag:s23] =	ssyncset.done $0x0  }
0xa4: {  	s25 =	simm.s32 $0x1B8E;
	s24 =	sld [smem:$0x3FFE];
	[sflag:s23] =	ssyncadd.s32 $0xFFFFFFFF  }
0xa5: {  	s26 =	simm.s32 $execute0_lowered;
	[smem:$0x3FD2] =	sst s25  }
0xa6: {  	s5 =	sshll.u32 s26, $0x1;
	_ =	strace $0x80000046;
	[dreg:$0x1] =	wrdreg $0xFFFFFFFF  }
0xa7: {  	s28 =	simm.s32 $_size_execute0_lowered;
	s3 =	sadd.s32 s3, s5;
	[dreg:$0x0] =	wrdreg $0x0  }
0xa8: {  	s5 =	sshll.u32 s28, $0x1;
	[dreg:$0x2] =	wrdreg s3  }
0xa9: {  	[dreg:$0x3] =	wrdreg s5  }
0xaa: {  	[dreg:$0x4] =	wrdreg $0xC0  }
0xab: {  	_ =	task [dreg:s7], $0x5FFFF  }
0xac: {  	[dreg:$0x1] =	wrdreg $0xFFFFFFFF  }
0xad: {  	[dreg:$0x0] =	wrdreg $0x60  }
0xae: {  	[dreg:$0x2] =	wrdreg s24  }
0xaf: {  	[dreg:$0x3] =	wrdreg s2  }
0xb0: {  	[dreg:$0x4] =	wrdreg $0x9  }
0xb1: {  	_ =	task.clear_ibuf [dreg:s7], $0x5FFFF;
	_ =	strace $0x90000046  }
0xb2: {  	s29 =	simm.s32 $0x9;
	_ =	strace $0x80000048  }
0xb3: {  	_ =	swait.ge [sflag:s29], $0x1  }
0xb4: {  	[sflag:s29] =	ssyncadd.s32 $0xFFFFFFFF  }
0xb5: {  	_ =	strace $0x90000048  }
0xb6: {  	_ =	sfence  }
0xb7: {  	s30 =	sld [smem:$0x0];
	_ =	sdelay $0x2  }
0xb8: {  	s31 =	sshll.u32 s1, $0xD;
	s1 =	sshrl.u32 s1, $0x2  }
0xb9: {  	s3 =	sand.u32 $0x4000, s31;
	s1 =	sadd.s32 s1, s30  }
0xba: {  	s0 =	sor.u32 s3, s0;
	s1 =	sshll.u32 s1, $0x11  }
0xbb: {  	s0 =	sor.u32 s1, s0  }
0xbc: {  	s0 =	sadd.s32 $0x8F2B, s0  }
0xbd: {  	[sflag:s0] =	ssyncadd.remote.s32 $0x1  }
0xbe: {  	_ =	sfence.sel $0xFFFF  }
0xbf: {  	[dreg:$0x0] =	wrdreg $0xFFFFFFFF;
	(pc) =	sbr.abs _section_cstart, $3  }
0xc0: {  	[dreg:$0x1] =	wrdreg $0xFFFFFFFF  }
0xc1: {  	_ =	task.clear_ibuf [dreg:s7], $0x2FFFF;
	_ =	strace $0x9FFFFFFF  }
0xc2: {  	(tm) =	ssettm $0x7FFFFFFF  }
0xc3: {  	_ =	shalt  }
tec
execute0_lowered:
.L_overlay_start_1:
0x0: {  	(tag) =	ssettag $0x1  }
0x1: {  	s0 =	srdreg.scid;
	s3 =	rddreg [dreg:$0x0]  }
0x2: {  	s9 =	stileid.u32;
	s4 =	rddreg [dreg:$0x1];
	s15 =	simm.s32 $0xC8  }
0x3: {  	s28 =	simm.s32 $0xFA00;
	s30 =	simm.s32 $0x11300;
	s31 =	simm.s32 $0x1  }
0x4: {  	s29 =	simm.s32 $0x9;
	s14 =	simm.s32 $0xC;
	s5 =	smul.u32 $0x190000, s9  }
0x5: {  	s11 =	simm.s32 $0x0;
	s0 =	sand.u32 $0x1, s0;
	s25 =	smul.u32 $0x32000, s9  }
0x6: {  	s1 =	sshll.u32 s9, $0x8;
	s9 =	simm.s32 $0x10;
	s7 =	smul.u32 $0xC8000, s0  }
0x7: {  	s2 =	sshll.u32 s0, $0x7;
	s6 =	ssub.s32 $0x2, s0;
	s0 =	smul.u32 $0x19000, s0  }
0x8: {  	s1 =	sor.u32 s2, s1;
	s2 =	simm.s32 $0x0;
	s8 =	sshrl.u32 s6, $0x1  }
0x9: {  	s1 =	smul.u32 $0x19, s1;
	[smem:$0x7FF] =	sst s2;
	s6 =	ssub.s32 s6, s8  }
0xa: {  	s5 =	sadd.s32 s7, s5;
	s8 =	simm.s32 $0xF;
	_ =	strace $0x80000047  }
0xb: {  	s16 =	sadd.s32 $0xAF00, s5;
	s7 =	sadd.s32 $0x9600, s5;
	s6 =	smax.u32 s6, $0x1  }
0xc: {  	s19 =	sor.u32 $0x7D00, s5;
	s20 =	sor.u32 $0x6400, s5;
	s21 =	sor.u32 $0x4B00, s5  }
0xd: {  	s26 =	sor.u32 $0x3200, s5;
	s5 =	sor.u32 $0x1900, s5;
	s1 =	sadd.s32 s1, s3  }
0xe: {  	s3 =	sadd.s32 $0xF42E00, s3;
	[dreg:$0x4] =	wrdreg s6;
	s17 =	sshrl.u32 s7, $0x3  }
0xf: {  	s22 =	sshrl.u32 s20, $0x3;
	s23 =	sshrl.u32 s21, $0x3;
	s6 =	sshrl.u32 s26, $0x3  }
0x10: {  	s5 =	sshrl.u32 s5, $0x3;
	s21 =	simm.s32 $0xAF00;
	s20 =	simm.s32 $0x5  }
0x11: {  	s26 =	simm.s32 $0x8;
	s7 =	simm.s32 $0xE;
	s1 =	sadd.s32 $0xA00, s1  }
0x12: {  	s18 =	sadd.s32 s17, s4;
	s24 =	sadd.s32 s23, s4;
	[dreg:$0x3] =	wrdreg s1  }
0x13: {  	s6 =	sadd.s32 s6, s4;
	s17 =	simm.s32 $0x7D00;
	[dreg:$0x6] =	wrdreg s18  }
0x14: {  	s23 =	simm.s32 $0xC800;
	s1 =	sshrl.u32 s16, $0x3;
	[dreg:$0x9] =	wrdreg s24  }
0x15: {  	[dreg:$0xa] =	wrdreg s6;
	s16 =	simm.s32 $0x6400;
	s1 =	sadd.s32 s1, s4  }
0x16: {  	s18 =	simm.s32 $0x4;
	[dreg:$0x5] =	wrdreg s1;
	s1 =	sshrl.u32 s19, $0x3  }
0x17: {  	s24 =	simm.s32 $0x7;
	s6 =	simm.s32 $0xD;
	s1 =	sadd.s32 s1, s4  }
.Ltmp0:
0x18: {  	[dreg:$0x7] =	wrdreg s1;
	s1 =	sadd.s32 s22, s4;
	(pc) =	sbr.rel .LBB2_1-.Ltmp0, $4  }
0x19: {  	s19 =	simm.s32 $0x9600;
	s22 =	simm.s32 $0x6;
	[dreg:$0x8] =	wrdreg s1  }
0x1a: {  	s1 =	sadd.s32 s25, s4;
	s4 =	sadd.s32 s5, s4;
	s25 =	simm.s32 $0xE100  }
0x1b: {  	s5 =	simm.s32 $0xB;
	[dreg:$0xb] =	wrdreg s4;
	s13 =	sadd.s32 s0, s1  }
0x1c: {  	s1 =	simm.s32 $0x2;
	s0 =	simm.s32 $0x3;
	s4 =	simm.s32 $0xA  }
.LBB2_3:
0x1d: {  	_ =	swait.ge [sflag:s4], $0x1900  }
0x1e: {  	[sflag:s4] =	ssyncset.done $0x0  }
0x1f: {  	[sflag:s4] =	ssyncadd.s32 $0xFFFFE700  }
0x20: {  	_ =	swait.ge [sflag:s5], $0x1900  }
0x21: {  	[sflag:s5] =	ssyncset.done $0x0  }
0x22: {  	[sflag:s5] =	ssyncadd.s32 $0xFFFFE700  }
0x23: {  	_ =	swait.ge [sflag:s14], $0x1900  }
0x24: {  	[sflag:s14] =	ssyncset.done $0x0  }
0x25: {  	[sflag:s14] =	ssyncadd.s32 $0xFFFFE700  }
0x26: {  	_ =	swait.ge [sflag:s6], $0x1900  }
0x27: {  	[sflag:s6] =	ssyncset.done $0x0  }
0x28: {  	[sflag:s6] =	ssyncadd.s32 $0xFFFFE700  }
0x29: {  	_ =	swait.ge [sflag:s7], $0x1900  }
0x2a: {  	[sflag:s7] =	ssyncset.done $0x0  }
0x2b: {  	[sflag:s7] =	ssyncadd.s32 $0xFFFFE700  }
0x2c: {  	_ =	swait.ge [sflag:s8], $0x1900  }
0x2d: {  	[sflag:s8] =	ssyncset.done $0x0  }
0x2e: {  	[sflag:s8] =	ssyncadd.s32 $0xFFFFE700  }
0x2f: {  	_ =	swait.ge [sflag:s9], $0x1900  }
0x30: {  	[sflag:s9] =	ssyncset.done $0x0  }
0x31: {  	[sflag:s9] =	ssyncadd.s32 $0xFFFFE700  }
.LBB2_5:
0x32: {  	s11 =	rddreg [dreg:$0xc]  }
0x33: {  	s10 =	rddreg [dreg:$0x4];
	s11 =	sadd.s32 $0x1, s11  }
0x34: {  	p0 =	sne.s32 s11, s10  }
.Ltmp1:
0x35: {  	_ = 	snop;
	(pc) =	sbr.rel @!p0 .LBB2_6-.Ltmp1, $1  }
0x36: {  	_ =	sdelay $0x3  }
.LBB2_1:
0x37: {  	[dreg:$0xc] =	wrdreg s11  }
0x38: {  	s10 =	rddreg [dreg:$0x3];
	s12 =	simm.s32 $0x11  }
0x39: {  	[tilespmem:s2], [sflag:$0x11] =	stream.linear.gather [hbm4b:s10+s2], $0x6400, $0x38;
	[tilespmem:$0x12C00] =	vst v63  }
0x3a: {  	_ =	swait.ge [sflag:s12], $0x6400  }
0x3b: {  	[sflag:s12] =	ssyncset.done $0x0  }
0x3c: {  	[sflag:s12] =	ssyncadd.s32 $0xFFFF9C00  }
0x3d: {  	[tilespmem:s16], [sflag:$0x1] =	stream.indirect.gather [hbm4b:s3+s15], $0x20, s2, s15, $0xb8;
	[tilespmem:$0x12C00] =	vst v63  }
0x3e: {  	_ = 	snop  }
0x3f: {  	[tilespmem:s17], [sflag:$0x2] =	stream.indirect.gather [hbm4b:s3+s15], $0x20, s15, s15, $0xb8;
	[tilespmem:$0x12C00] =	vst v63  }
0x40: {  	s11 =	simm.s32 $0x190  }
0x41: {  	[tilespmem:s19], [sflag:$0x3] =	stream.indirect.gather [hbm4b:s3+s15], $0x20, s11, s15, $0xb8;
	[tilespmem:$0x12C00] =	vst v63  }
0x42: {  	s12 =	simm.s32 $0x258  }
0x43: {  	[tilespmem:s21], [sflag:$0x4] =	stream.indirect.gather [hbm4b:s3+s15], $0x20, s12, s15, $0xb8;
	[tilespmem:$0x12C00] =	vst v63  }
0x44: {  	s11 =	simm.s32 $0x320  }
0x45: {  	[tilespmem:s23], [sflag:$0x5] =	stream.indirect.gather [hbm4b:s3+s15], $0x20, s11, s15, $0xb8;
	[tilespmem:$0x12C00] =	vst v63  }
0x46: {  	s12 =	simm.s32 $0x3E8  }
0x47: {  	[tilespmem:s25], [sflag:$0x6] =	stream.indirect.gather [hbm4b:s3+s15], $0x20, s12, s15, $0xb8;
	[tilespmem:$0x12C00] =	vst v63  }
0x48: {  	s11 =	simm.s32 $0x4B0  }
0x49: {  	[tilespmem:s28], [sflag:$0x7] =	stream.indirect.gather [hbm4b:s3+s15], $0x20, s11, s15, $0xb8;
	[tilespmem:$0x12C00] =	vst v63  }
0x4a: {  	s10 =	simm.s32 $0x0;
	s12 =	simm.s32 $0x578  }
0x4b: {  	[tilespmem:s30], [sflag:$0x8] =	stream.indirect.gather [hbm4b:s3+s15], $0x20, s12, s15, $0xb8;
	[tilespmem:$0x12C00] =	vst v63  }
.LBB2_2:
0x4c: {  	_ =	swait.ge [sflag:s31], $0x1900  }
0x4d: {  	[sflag:s31] =	ssyncset.done $0x0  }
0x4e: {  	s11 =	sadd.s32 s10, s13;
	[sflag:s31] =	ssyncadd.s32 $0xFFFFE700  }
0x4f: {  	[hbm4b:s11+s2] =	stream.linear.scatter [tilespmem:s16], [sflag:$0x9], $0x1900, $0x38;
	[tilespmem:$0x12C00] =	vst v63  }
0x50: {  	_ =	swait.ge [sflag:s1], $0x1900  }
0x51: {  	[sflag:s1] =	ssyncset.done $0x0;
	s12 =	rddreg [dreg:$0xb]  }
0x52: {  	[sflag:s1] =	ssyncadd.s32 $0xFFFFE700;
	s11 =	sadd.s32 s10, s12  }
0x53: {  	[hbm4b:s11+s2] =	stream.linear.scatter [tilespmem:s17], [sflag:$0xA], $0x1900, $0x38;
	[tilespmem:$0x12C00] =	vst v63  }
0x54: {  	_ =	swait.ge [sflag:s0], $0x1900  }
0x55: {  	[sflag:s0] =	ssyncset.done $0x0;
	s12 =	rddreg [dreg:$0xa]  }
0x56: {  	[sflag:s0] =	ssyncadd.s32 $0xFFFFE700;
	s11 =	sadd.s32 s10, s12  }
0x57: {  	[hbm4b:s11+s2] =	stream.linear.scatter [tilespmem:s19], [sflag:$0xB], $0x1900, $0x38;
	[tilespmem:$0x12C00] =	vst v63  }
0x58: {  	_ =	swait.ge [sflag:s18], $0x1900  }
0x59: {  	[sflag:s18] =	ssyncset.done $0x0;
	s12 =	rddreg [dreg:$0x9]  }
0x5a: {  	[sflag:s18] =	ssyncadd.s32 $0xFFFFE700;
	s11 =	sadd.s32 s10, s12  }
0x5b: {  	[hbm4b:s11+s2] =	stream.linear.scatter [tilespmem:s21], [sflag:$0xC], $0x1900, $0x38;
	[tilespmem:$0x12C00] =	vst v63  }
0x5c: {  	_ =	swait.ge [sflag:s20], $0x1900  }
0x5d: {  	[sflag:s20] =	ssyncset.done $0x0;
	s12 =	rddreg [dreg:$0x8]  }
0x5e: {  	[sflag:s20] =	ssyncadd.s32 $0xFFFFE700;
	s11 =	sadd.s32 s10, s12  }
0x5f: {  	[hbm4b:s11+s2] =	stream.linear.scatter [tilespmem:s23], [sflag:$0xD], $0x1900, $0x38;
	[tilespmem:$0x12C00] =	vst v63  }
0x60: {  	_ =	swait.ge [sflag:s22], $0x1900  }
0x61: {  	[sflag:s22] =	ssyncset.done $0x0;
	s12 =	rddreg [dreg:$0x7]  }
0x62: {  	[sflag:s22] =	ssyncadd.s32 $0xFFFFE700;
	s11 =	sadd.s32 s10, s12  }
0x63: {  	[hbm4b:s11+s2] =	stream.linear.scatter [tilespmem:s25], [sflag:$0xE], $0x1900, $0x38;
	[tilespmem:$0x12C00] =	vst v63  }
0x64: {  	_ =	swait.ge [sflag:s24], $0x1900  }
0x65: {  	[sflag:s24] =	ssyncset.done $0x0;
	s12 =	rddreg [dreg:$0x6]  }
0x66: {  	[sflag:s24] =	ssyncadd.s32 $0xFFFFE700;
	s11 =	sadd.s32 s10, s12  }
0x67: {  	[hbm4b:s11+s2] =	stream.linear.scatter [tilespmem:s28], [sflag:$0xF], $0x1900, $0x38;
	[tilespmem:$0x12C00] =	vst v63  }
0x68: {  	_ =	swait.ge [sflag:s26], $0x1900  }
0x69: {  	p0 =	sne.s32 s10, $0x17700;
	[sflag:s26] =	ssyncset.done $0x0;
	s12 =	rddreg [dreg:$0x5]  }
.Ltmp2:
0x6a: {  	[sflag:s26] =	ssyncadd.s32 $0xFFFFE700;
	s11 =	sadd.s32 s10, s12;
	(pc) =	sbr.rel @!p0 .LBB2_3-.Ltmp2, $4  }
0x6b: {  	[hbm4b:s11+s2] =	stream.linear.scatter [tilespmem:s30], [sflag:$0x10], $0x1900, $0x38;
	[tilespmem:$0x12C00] =	vst v63  }
0x6c: {  	_ =	swait.ge [sflag:s29], $0x1900  }
0x6d: {  	[sflag:s29] =	ssyncset.done $0x0  }
0x6e: {  	[sflag:s29] =	ssyncadd.s32 $0xFFFFE700  }
0x6f: {  	s11 =	sshra.s32 s10, $0x2  }
0x70: {  	s12 =	sadd.s32 $0x640, s11  }
0x71: {  	[tilespmem:s16], [sflag:$0x1] =	stream.indirect.gather [hbm4b:s3+s15], $0x20, s12, s15, $0xb8;
	[tilespmem:$0x12C00] =	vst v63  }
0x72: {  	_ =	swait.ge [sflag:s4], $0x1900  }
0x73: {  	[sflag:s4] =	ssyncset.done $0x0  }
0x74: {  	s12 =	sadd.s32 $0x708, s11;
	[sflag:s4] =	ssyncadd.s32 $0xFFFFE700  }
0x75: {  	[tilespmem:s17], [sflag:$0x2] =	stream.indirect.gather [hbm4b:s3+s15], $0x20, s12, s15, $0xb8;
	[tilespmem:$0x12C00] =	vst v63  }
0x76: {  	_ =	swait.ge [sflag:s5], $0x1900  }
0x77: {  	[sflag:s5] =	ssyncset.done $0x0  }
0x78: {  	s12 =	sadd.s32 $0x7D0, s11;
	[sflag:s5] =	ssyncadd.s32 $0xFFFFE700  }
0x79: {  	[tilespmem:s19], [sflag:$0x3] =	stream.indirect.gather [hbm4b:s3+s15], $0x20, s12, s15, $0xb8;
	[tilespmem:$0x12C00] =	vst v63  }
0x7a: {  	_ =	swait.ge [sflag:s14], $0x1900  }
0x7b: {  	[sflag:s14] =	ssyncset.done $0x0  }
0x7c: {  	s12 =	sadd.s32 $0x898, s11;
	[sflag:s14] =	ssyncadd.s32 $0xFFFFE700  }
0x7d: {  	[tilespmem:s21], [sflag:$0x4] =	stream.indirect.gather [hbm4b:s3+s15], $0x20, s12, s15, $0xb8;
	[tilespmem:$0x12C00] =	vst v63  }
0x7e: {  	_ =	swait.ge [sflag:s6], $0x1900  }
0x7f: {  	[sflag:s6] =	ssyncset.done $0x0  }
0x80: {  	s12 =	sadd.s32 $0x960, s11;
	[sflag:s6] =	ssyncadd.s32 $0xFFFFE700  }
0x81: {  	[tilespmem:s23], [sflag:$0x5] =	stream.indirect.gather [hbm4b:s3+s15], $0x20, s12, s15, $0xb8;
	[tilespmem:$0x12C00] =	vst v63  }
0x82: {  	_ =	swait.ge [sflag:s7], $0x1900  }
0x83: {  	[sflag:s7] =	ssyncset.done $0x0  }
0x84: {  	s12 =	sadd.s32 $0xA28, s11;
	[sflag:s7] =	ssyncadd.s32 $0xFFFFE700  }
0x85: {  	[tilespmem:s25], [sflag:$0x6] =	stream.indirect.gather [hbm4b:s3+s15], $0x20, s12, s15, $0xb8;
	[tilespmem:$0x12C00] =	vst v63  }
0x86: {  	_ =	swait.ge [sflag:s8], $0x1900  }
0x87: {  	s10 =	sadd.s32 $0x1900, s10;
	[sflag:s8] =	ssyncset.done $0x0  }
0x88: {  	p0 =	sne.s32 s10, $0x19000;
	s12 =	sadd.s32 $0xAF0, s11;
	[sflag:s8] =	ssyncadd.s32 $0xFFFFE700  }
0x89: {  	[tilespmem:s28], [sflag:$0x7] =	stream.indirect.gather [hbm4b:s3+s15], $0x20, s12, s15, $0xb8;
	[tilespmem:$0x12C00] =	vst v63  }
.Ltmp3:
0x8a: {  	_ = 	snop;
	(pc) =	sbr.rel @p0 .LBB2_2-.Ltmp3, $4  }
.Ltmp4:
0x8b: {  	_ =	swait.ge [sflag:s9], $0x1900;
	(pc) =	sbr.rel @!p0 .LBB2_5-.Ltmp4, $4  }
0x8c: {  	[sflag:s9] =	ssyncset.done $0x0  }
0x8d: {  	s11 =	sadd.s32 $0xBB8, s11;
	[sflag:s9] =	ssyncadd.s32 $0xFFFFE700  }
0x8e: {  	[tilespmem:s30], [sflag:$0x8] =	stream.indirect.gather [hbm4b:s3+s15], $0x20, s11, s15, $0xb8;
	[tilespmem:$0x12C00] =	vst v63  }
0x8f: {  	_ = 	snop  }
.LBB2_6:
0x90: {  	_ =	sfence.sel $0x180000  }
0x91: {  	[bflag:$0x0] =	sbarrier.arrive $0xFFFF  }
0x92: {  	_ =	strace $0x90000047  }
0x93: {  	s0 =	stileid.u32;
	[bflag:$0x2] =	sbarrier.arrive $0xFFFF  }
0x94: {  	p0 =	sne.s32 s0, $0x0;
	s0 =	rddreg [dreg:$0x2]  }
0x95: {  	s0 =	sadd.s32 @!p0 $0x100000, s0  }
0x96: {  	[sflag:s0] =	ssyncadd.tile.s32 @!p0 $0x1;
	_ =	shalt  }
.Lfunc_end2:
_tile_overlayer_lowered:
.L_overlay_start_2:
0x97: {  	(tag) =	ssettag $0x2  }
0x98: {  	s0 =	rddreg [dreg:$0x0];
	s2 =	stileid.u32  }
0x99: {  	s1 =	rddreg [dreg:$0x1];
	p0 =	sne.s32 s2, $0x0  }
0x9a: {  	s3 =	rddreg [dreg:$0x2];
	[bflag:$0x3] =	sbarrier.arrive $0xFFFF;
	s2 =	simm.s32 @!p0 $0x1C11  }
0x9b: {  	[timem:s3], [sflag:s2] =	dma.local @!p0 [hbm:s0], s1  }
0x9c: {  	s0 =	simm.s32 @!p0 $0x11  }
0x9d: {  	_ =	swait.ge @!p0 [sflag:s0], s1  }
0x9e: {  	s1 =	ssub.s32 @!p0 $0x0, s1;
	[sflag:s0] =	ssyncset.done @!p0 $0x0  }
0x9f: {  	[sflag:s0] =	ssyncadd.s32 @!p0 s1  }
0xa0: {  	[bflag:$0x3] =	sbarrier.arrive $0xFFFF  }
0xa1: {  	_ =	shalt  }

// kernel: sparse-core-data-format-call.cloned.1.call-start
scs
called_computation_lowered:
.L_overlay_start_0:
0x0: {  	s2 =	sld [smem:$0x3FD9]  }
0x1: {  	s3 =	sld [smem:$0x3FFE];
	_ =	sdelay $0x1  }
0x2: {  	s1 =	srdreg.scid  }
0x3: {  	s0 =	sand.u32 $0x1, s1  }
0x4: {  	s18 =	sshll.u32 s0, $0xA;
	s2 =	sadd.s32 s3, s2  }
0x5: {  	s2 =	sadd.s32 s2, s18  }
0x6: {  	[smem:$0x3FC6] =	sst s2  }
0x7: {  	_ = 	snop  }
0x8: {  	s2 =	sld [smem:$0x3FD0];
	(tm) =	ssettm $0x1  }
0x9: {  	s19 =	sld [smem:$0x3FFB];
	_ =	sdelay $0x3  }
0xa: {  	_ =	strace s19  }
0xb: {  	s3 =	sld [smem:$0x3FFC];
	_ =	sdelay $0x3  }
0xc: {  	_ =	strace s3  }
0xd: {  	s3 =	sld [smem:$0x3FFD];
	_ =	sdelay $0x3  }
0xe: {  	_ =	strace s3  }
0xf: {  	_ =	strace $0x8FFFFFFF  }
0x10: {  	s20 =	sld [smem:$0x3FDB];
	_ =	sdelay $0x1  }
0x11: {  	s4 =	simm.s32 $_scs_section_size  }
0x12: {  	s5 =	simm.s32 $_size__tile_overlayer_lowered;
	s6 =	simm.s32 $_tile_overlayer_lowered  }
0x13: {  	s23 =	simm.s32 $0x1BFF;
	s22 =	sshll.u32 s6, $0x1;
	s3 =	sadd.s32 s4, s20  }
0x14: {  	s7 =	simm.s32 $0x0;
	s21 =	sshll.u32 s5, $0x1;
	s5 =	sadd.s32 s22, s3  }
0x15: {  	[timem:s7], [sflag:s23] =	dma.local [hbm:s5], s21  }
0x16: {  	_ =	swait.ge [sflag:s23], s21  }
0x17: {  	s4 =	ssub.s32 $0x0, s21;
	[sflag:s23] =	ssyncset.done $0x0  }
0x18: {  	[sflag:s23] =	ssyncadd.s32 s4;
	_ =	sdelay $0x1  }
0x19: {  	s24 =	simm.s32 $0x1B8B  }
0x1a: {  	_ =	swait.ge [sflag:s24], $0x1  }
0x1b: {  	[sflag:s24] =	ssyncset.done $0x0  }
0x1c: {  	s26 =	simm.s32 $0x1B8E;
	s25 =	sld [smem:$0x3FFE];
	[sflag:s24] =	ssyncadd.s32 $0xFFFFFFFF  }
0x1d: {  	s27 =	simm.s32 $execute0_lowered;
	[smem:$0x3FD2] =	sst s26  }
0x1e: {  	s5 =	sshll.u32 s27, $0x1;
	_ =	strace $0x80000049;
	[dreg:$0x1] =	wrdreg $0xFFFFFFFF  }
0x1f: {  	s28 =	simm.s32 $_size_execute0_lowered;
	s3 =	sadd.s32 s3, s5;
	[dreg:$0x0] =	wrdreg $0x0  }
0x20: {  	s5 =	sshll.u32 s28, $0x1;
	[dreg:$0x2] =	wrdreg s3  }
0x21: {  	[dreg:$0x3] =	wrdreg s5  }
0x22: {  	[dreg:$0x4] =	wrdreg $0xC0  }
0x23: {  	_ =	task [dreg:s7], $0x5FFFF  }
0x24: {  	[dreg:$0x1] =	wrdreg $0xFFFFFFFF  }
0x25: {  	[dreg:$0x0] =	wrdreg $0x60  }
0x26: {  	[dreg:$0x2] =	wrdreg s25  }
0x27: {  	[dreg:$0x3] =	wrdreg s2  }
0x28: {  	[dreg:$0x4] =	wrdreg $0x9  }
0x29: {  	_ =	task.clear_ibuf [dreg:s7], $0x5FFFF;
	_ =	strace $0x90000049  }
0x2a: {  	s29 =	simm.s32 $0x9;
	_ =	strace $0x8000004B  }
0x2b: {  	_ =	swait.ge [sflag:s29], $0x1  }
0x2c: {  	[sflag:s29] =	ssyncadd.s32 $0xFFFFFFFF  }
0x2d: {  	_ =	strace $0x9000004B  }
0x2e: {  	_ =	sfence  }
0x2f: {  	s30 =	sld [smem:$0x0];
	_ =	sdelay $0x2  }
0x30: {  	s31 =	sshll.u32 s1, $0xD;
	s1 =	sshrl.u32 s1, $0x2  }
0x31: {  	s3 =	sand.u32 $0x4000, s31;
	s1 =	sadd.s32 s1, s30  }
0x32: {  	s0 =	sor.u32 s3, s0;
	s1 =	sshll.u32 s1, $0x11  }
0x33: {  	s0 =	sor.u32 s1, s0  }
0x34: {  	s0 =	sadd.s32 $0x8F2B, s0  }
0x35: {  	[sflag:s0] =	ssyncadd.remote.s32 $0x1  }
0x36: {  	_ =	sfence.sel $0xFFFF  }
0x37: {  	[dreg:$0x0] =	wrdreg $0xFFFFFFFF;
	(pc) =	sbr.abs _section_cstart, $3  }
0x38: {  	[dreg:$0x1] =	wrdreg $0xFFFFFFFF  }
0x39: {  	_ =	task.clear_ibuf [dreg:s7], $0x2FFFF;
	_ =	strace $0x9FFFFFFF  }
0x3a: {  	(tm) =	ssettm $0x7FFFFFFF  }
0x3b: {  	_ =	shalt  }
tec
execute0_lowered:
.L_overlay_start_1:
0x0: {  	(tag) =	ssettag $0x1  }
0x1: {  	s0 =	srdreg.scid  }
0x2: {  	s1 =	sshll.u32 s0, $0x4  }
0x3: {  	s0 =	stileid.u32;
	s1 =	sand.u32 $0x10, s1  }
0x4: {  	s1 =	sor.u32 s0, s1  }
0x5: {  	s6 =	rddreg [dreg:$0x0];
	s4 =	simm.s32 $0x1;
	s2 =	sshll.u32 s1, $0x7  }
0x6: {  	s7 =	simm.s32 $0x2;
	s12 =	simm.s32 $0x0;
	s1 =	ssub.s32 $0x1000, s2  }
0x7: {  	s8 =	simm.s32 $0x8000;
	s13 =	simm.s32 $0x0;
	s3 =	sand.u32 $0xF80, s1  }
0x8: {  	s9 =	simm.s32 $0x0;
	s5 =	sshrl.u32 s1, $0xC;
	p0 =	sne.s32 s3, $0x0  }
.Ltmp0:
0x9: {  	s1 =	rddreg [dreg:$0x2];
	s4 =	simm.s32 @!p0 $0x0;
	(pc) =	sbr.rel .LBB1_1-.Ltmp0, $4  }
0xa: {  	s11 =	simm.s32 $0x0;
	s3 =	rddreg [dreg:$0x1];
	s5 =	sadd.s32 s4, s5  }
0xb: {  	_ =	strace $0x8000004A;
	s4 =	simm.s32 $0x1;
	s5 =	smul.u32 $0xC8, s5  }
0xc: {  	s6 =	sadd.s32 $0xA00, s6;
	s10 =	smov.u32 s2;
	[sflag:s4] =	ssyncpa.u1 $0x0  }
0xd: {  	p0 =	por $0x0, $0x0;
	[sflag:s7] =	ssyncpa.u1 $0x0;
	s7 =	sor.u32 $0x1, s5  }
.LBB1_4:
0xe: {  	s16 =	sshll.u32 s13, $0x3;
	s17 =	sand.u32 $0x78, s13  }
0xf: {  	s30 =	sand.u32 $0x3E00, s13;
	s12 =	sshll.u32 s12, $0xE;
	s16 =	sand.u32 $0xC00, s16  }
0x10: {  	s31 =	sand.u32 $0x7, s13;
	s16 =	sor.u32 s17, s16;
	s17 =	sadd.s32 s3, s30  }
0x11: {  	s13 =	sshll.u32 s31, $0x12;
	s16 =	sshrl.u32 s16, $0x3;
	s12 =	sadd.s32 s12, s17  }
0x12: {  	[tilespmem:s15+$0x0 ss:$0x81] =	vst.msk $0xffff, v0;
	s13 =	sor.u32 $0x400, s13;
	s12 =	sadd.s32 s16, s12  }
0x13: {  	[hbm4b:s12+s13] =	stream.strided.scatter [tilespmem:s14], [sflag:$0x2], $0x1000, s8, s13, $0x20;
	[tilespmem:$0x4040] =	vst v63  }
.LBB1_5:
0x14: {  	s14 =	sadd.s32 $0x1, s9  }
0x15: {  	s12 =	sadd.s32 $0x1000, s10;
	s16 =	smov.u32 s10;
	p2 =	sgt.s32 s14, $0xC7  }
0x16: {  	s16 =	smov.u32 @p2 s12  }
0x17: {  	s14 =	simm.s32 @p2 $0x0;
	p2 =	sgt.s32 s16, $0xFFF  }
0x18: {  	s16 =	smov.u32 @p2 s2;
	p2 =	sne.s32 s11, s7  }
.Ltmp1:
0x19: {  	p1 =	slt.u32 s11, $0x2;
	(pc) =	sbr.rel @!p2 .LBB1_6-.Ltmp1, $4  }
0x1a: {  	s15 =	simm.s32 @!p1 $0x2  }
0x1b: {  	s13 =	smov.u32 s10;
	p0 =	por !p0, !p0;
	_ =	swait.ge @!p1 [sflag:s15], $0x1000  }
0x1c: {  	s12 =	smov.u32 s9;
	[sflag:s15] =	ssyncset.done @!p1 $0x0;
	s9 =	smov.u32 s14  }
0x1d: {  	s11 =	sadd.s32 $0x1, s11;
	[sflag:s15] =	ssyncadd.s32 @!p1 $0xFFFFF000;
	s10 =	smov.u32 s16  }
.LBB1_1:
0x1e: {  	p1 =	sge.u32 s11, s5  }
0x1f: {  	s14 =	sand.u32 @!p1 $0x1FFFFFF, s9  }
0x20: {  	s15 =	smulhi.u32 @!p1 $0x147AE15, s14;
	_ =	sdelay $0x1  }
0x21: {  	s15 =	smul.u32 @!p1 $0xC8, s15  }
0x22: {  	s16 =	sxor.u32 @!p1 $0xFFFFFFFF, s11;
	s17 =	smul.u32 @!p1 $0xC80, s10  }
0x23: {  	s31 =	sadd.s32 $0xFFFFFFFF, s11;
	s16 =	sshll.u32 @!p1 s16, $0xC;
	s14 =	ssub.s32 @!p1 s14, s15  }
0x24: {  	s15 =	sand.u32 @!p1 $0x1000, s16;
	s16 =	sadd.s32 @!p1 s6, s17;
	s14 =	sshll.u32 @!p1 s14, $0x4  }
0x25: {  	s17 =	simm.s32 @!p1 $0x6400;
	s14 =	sadd.s32 @!p1 s14, s16;
	s16 =	simm.s32 @!p1 $0x20  }
0x26: {  	[tilespmem:s15], [sflag:$0x1] =	stream.strided.gather @!p1 [hbm4b:s14+s16], $0x1000, s17, s16, $0x38;
	[tilespmem:$0x4040] =	vst v63  }
0x27: {  	p1 =	sge.u32 s31, s5  }
.Ltmp2:
0x28: {  	_ = 	snop;
	(pc) =	sbr.rel @p1 .LBB1_5-.Ltmp2, $1  }
0x29: {  	_ =	sdelay $0x3  }
0x2a: {  	s14 =	simm.s32 $0x1  }
0x2b: {  	_ =	swait.ge [sflag:s4], $0x1000;
	s14 =	simm.s32 @!p0 $0x0  }
0x2c: {  	[sflag:s4] =	ssyncset.done $0x0;
	s15 =	sshll.u32 s14, $0xC  }
0x2d: {  	[sflag:s4] =	ssyncadd.s32 $0xFFFFF000;
	s18 =	sor.u32 $0x10, s15  }
0x2e: {  	s14 =	smul.u32 $0x4080, s14;
	v1 =	vld [tilespmem:s18+$0x0]  }
0x2f: {  	s30 =	sand.u32 $0x1, s11;
	v0 =	vld [tilespmem:s18+$0xFFFFFFF0]  }
0x30: {  	s15 =	smul.u32 $0x4080, s30;
	s14 =	sshrl.u32 s14, $0x2  }
0x31: {  	s16 =	sor.u32 $0x2000, s14  }
0x32: {  	s31 =	sshrl.u32 s15, $0x2;
	s15 =	sadd.s32 $0x0, s16  }
0x33: {  	s17 =	simm.s32 $0x4;
	s18 =	sadd.s32 $0x20, s18;
	s14 =	sor.u32 $0x2000, s31;
	[tilespmem:s15+$0x810 ss:$0x81] =	vst.msk $0xffff, v1  }
.LBB1_3:
0x34: {  	v1 =	vld [tilespmem:s18+$0x0];
	p1 =	sne.s32 s17, $0x1FC;
	[tilespmem:s15+$0x0 ss:$0x81] =	vst.msk $0xffff, v0;
	s15 =	smov.u32 s17;
	s17 =	sadd.s32 $0x4, s17  }
.Ltmp3:
0x35: {  	v0 =	vld [tilespmem:s18+$0xFFFFFFF0];
	(pc) =	sbr.rel @p1 .LBB1_3-.Ltmp3, $4  }
0x36: {  	_ = 	snop  }
0x37: {  	s15 =	sshra.s32 s15, $0x2  }
0x38: {  	s15 =	sadd.s32 s15, s16  }
0x39: {  	s18 =	sadd.s32 $0x20, s18;
	[tilespmem:s15+$0x810 ss:$0x81] =	vst.msk $0xffff, v1  }
.Ltmp4:
0x3a: {  	_ = 	snop;
	(pc) =	sbr.rel .LBB1_4-.Ltmp4, $1  }
0x3b: {  	_ =	sdelay $0x3  }
.LBB1_6:
0x3c: {  	_ =	sfence.sel $0x180000  }
0x3d: {  	s2 =	simm.s32 $0x1;
	[bflag:$0x0] =	sbarrier.arrive $0xFFFF  }
0x3e: {  	s31 =	simm.s32 $0x2;
	[sflag:s2] =	ssyncpa.u1 $0x1  }
0x3f: {  	[sflag:s31] =	ssyncpa.u1 $0x1  }
0x40: {  	p0 =	sne.s32 s0, $0x0;
	_ =	strace $0x9000004A  }
0x41: {  	s0 =	sadd.s32 @!p0 $0x100000, s1;
	[bflag:$0x2] =	sbarrier.arrive $0xFFFF  }
0x42: {  	[sflag:s0] =	ssyncadd.tile.s32 @!p0 $0x1;
	_ =	shalt  }
.Lfunc_end1:
_tile_overlayer_lowered:
.L_overlay_start_2:
0x43: {  	(tag) =	ssettag $0x2  }
0x44: {  	s0 =	rddreg [dreg:$0x0];
	s2 =	stileid.u32  }
0x45: {  	s1 =	rddreg [dreg:$0x1];
	p0 =	sne.s32 s2, $0x0  }
0x46: {  	s3 =	rddreg [dreg:$0x2];
	[bflag:$0x3] =	sbarrier.arrive $0xFFFF;
	s2 =	simm.s32 @!p0 $0x1C01  }
0x47: {  	[timem:s3], [sflag:s2] =	dma.local @!p0 [hbm:s0], s1  }
0x48: {  	s0 =	simm.s32 @!p0 $0x1  }
0x49: {  	_ =	swait.ge @!p0 [sflag:s0], s1  }
0x4a: {  	s1 =	ssub.s32 @!p0 $0x0, s1;
	[sflag:s0] =	ssyncset.done @!p0 $0x0  }
0x4b: {  	[sflag:s0] =	ssyncadd.s32 @!p0 s1  }
0x4c: {  	[bflag:$0x3] =	sbarrier.arrive $0xFFFF  }
0x4d: {  	_ =	shalt  }

</sc_bundles>
